<compile_context>
chip_gen: v7x
topology: tpu7x:2x2x1
jax: 0.10.2.dev20260603
libtpu: 0.0.44.dev20260713+nightly
codegen_flags: <defaults>
</compile_context>

<pallas_src>
import functools

import jax
import jax.numpy as jnp
from jax import lax
from jax.experimental import pallas as pl
from jax.experimental.pallas import tpu as pltpu
from jax.experimental.pallas import tpu_sc as plsc

_B = 4096
_S = 200
_D = 64

_NC = 2
_NS = 16
_NW = _NC * _NS
_BLK = _B // _NW
_KT = _D // 8
_NBUF = 2
_PAD = 129

_mesh = plsc.VectorSubcoreMesh(core_axis_name="c", subcore_axis_name="s")


@functools.partial(
    pl.kernel,
    out_type=jax.ShapeDtypeStruct((_S, _KT, _NW, 8, 128), jnp.float32),
    mesh=_mesh,
    scratch_types=[
        pltpu.VMEM((_S, _BLK), jnp.int32),
        pltpu.VMEM((_NBUF, _BLK, _D), jnp.float32),
        pltpu.VMEM((_NBUF, _KT, 8, _PAD), jnp.float32),
        pltpu.SemaphoreType.DMA,
        pltpu.SemaphoreType.DMA,
        pltpu.SemaphoreType.DMA,
        pltpu.SemaphoreType.DMA,
    ],
    compiler_params=pltpu.CompilerParams(
        use_tc_tiling_on_sc=False, needs_layout_passes=False
    ),
)
def _sc_gather_t(xt_hbm, table_hbm, out_hbm, idx_v, rows_v, tblk_v,
                 g0, g1, o0, o1):
    w = lax.axis_index("s") * _NC + lax.axis_index("c")
    b0 = w * _BLK
    col = lax.iota(jnp.int32, 16)
    ktidx = [(16 * j + col) // 8 for j in range(4)]
    ksidx = [(16 * j + col) % 8 for j in range(4)]
    gsems = (g0, g1)
    osems = (o0, o1)

    pltpu.sync_copy(xt_hbm.at[:, pl.ds(b0, _BLK)], idx_v)

    def gather(s, p):
        return pltpu.make_async_copy(
            table_hbm.at[idx_v.at[s]], rows_v.at[p], gsems[p]
        )

    def transpose(p):
        rows = rows_v.at[p]
        tdst = tblk_v.at[p]

        @plsc.parallel_loop(0, _BLK, unroll=8)
        def row(b):
            bvec = jnp.full((16,), b, jnp.int32)
            for j in range(4):
                v = rows[b, pl.ds(16 * j, 16)]
                plsc.store_scatter(tdst, [ktidx[j], ksidx[j], bvec], v)

    def out_copy(s, p):
        return pltpu.make_async_copy(
            tblk_v.at[p].at[:, :, pl.ds(0, 128)],
            out_hbm.at[s, :, w],
            osems[p],
        )

    gather(0, 0).start()

    def ring(i, carry):
        s0 = _NBUF * i
        for p in range(_NBUF):
            s = s0 + p

            @pl.when(s + 1 < _S)
            def _():
                gather(s + 1, (p + 1) % _NBUF).start()

            gather(s, p).wait()

            @pl.when(s >= _NBUF)
            def _():
                out_copy(s - _NBUF, p).wait()

            transpose(p)
            out_copy(s, p).start()
        return carry

    lax.fori_loop(0, _S // _NBUF, ring, 0)
    for s in range(_S - _NBUF, _S):
        out_copy(s, s % _NBUF).wait()


def kernel(x, vocab_embed):
    b, s = x.shape
    d = vocab_embed.shape[1]
    xt = x.T
    out5 = _sc_gather_t(xt, vocab_embed)
    real = out5.transpose(2, 4, 0, 1, 3).reshape(b, s, d)
    omega = 1.0 / (10000.0 ** (jnp.arange(0, d, 2, dtype=jnp.float32) / d))
    angles = omega[None, :] * jnp.arange(s, dtype=jnp.float32)[:, None]
    imag = jnp.repeat(jnp.sin(angles), 2, axis=-1)
    imag = jnp.broadcast_to(imag[None, :, :], (b, s, d))
    return jax.lax.complex(real, imag)

# --- scband reference (transcript-rebuilt; emitter-appended) ---
"""Pipeline reference for scband-complex-embeddings-2946347565887 (READ-ONLY COPY).

The authoritative reference and input builder live on the scoring server;
editing this copy changes nothing except your own understanding.
"""

import jax, jax.numpy as jnp
import numpy as np

VOCAB = 1000000
D_MODEL = 64
GAMMA = 1.0
BATCH = 4096
SEQ = 200


def setup_inputs(seed: int = 0) -> dict:
    key = jax.random.key(seed)
    k1, k2 = jax.random.split(key)
    x = jax.random.randint(k1, (BATCH, SEQ), 0, VOCAB, dtype=jnp.int64 if jax.config.jax_enable_x64 else jnp.int32).astype(jnp.int32)
    vocab_embed = jax.random.normal(k2, (VOCAB, D_MODEL), dtype=jnp.float32)
    return {"x": x, "vocab_embed": vocab_embed}


def reference(x, vocab_embed):
    # real part: embedding lookup (gather)
    real = jnp.take(vocab_embed, x, axis=0)  # [B, S, D]
    seq_len = real.shape[-2]
    # omega buffer: 1 / 10000^(arange(0, D, 2)/D)
    omega = 1.0 / (10000.0 ** (jnp.arange(0, D_MODEL, 2, dtype=jnp.float32) / D_MODEL))  # [D/2]
    positions = jnp.arange(seq_len, dtype=jnp.float32)[:, None]  # [S, 1]
    angles = omega[None, :] * positions  # [S, D/2]
    imag = GAMMA * jnp.repeat(jnp.sin(angles), 2, axis=-1)  # [S, D] (repeat_interleave)
    # real is 3-D -> expand imag over batch
    imag = jnp.broadcast_to(imag[None, :, :], real.shape)
    return jax.lax.complex(real, imag)

if __name__ == "__main__":
    import jax
    _d = setup_inputs()
    print(jax.jit(kernel)(*tuple(_d.values())))

</pallas_src>

<mosaic_0001>
#map = affine_map<(d0, d1) -> (0, 0)>
#map1 = affine_map<(d0, d1) -> (0, 0, 0, 0, 0)>
module attributes {stable_mosaic.version = 14 : i64} {
  func.func @_sc_gather_t(%arg0: i32, %arg1: i32, %arg2: memref<200x4096xi32, #tpu.memory_space<hbm>>, %arg3: memref<1000000x64xf32, #tpu.memory_space<hbm>>, %arg4: memref<200x8x32x8x128xf32, #tpu.memory_space<hbm>>, %arg5: memref<200x128xi32, #tpu.memory_space<vmem>>, %arg6: memref<2x128x64xf32, #tpu.memory_space<vmem>>, %arg7: memref<2x8x8x129xf32, #tpu.memory_space<vmem>>, %arg8: memref<!tpu.dma_semaphore, #tpu.memory_space<semaphore_mem>>, %arg9: memref<!tpu.dma_semaphore, #tpu.memory_space<semaphore_mem>>, %arg10: memref<!tpu.dma_semaphore, #tpu.memory_space<semaphore_mem>>, %arg11: memref<!tpu.dma_semaphore, #tpu.memory_space<semaphore_mem>>) attributes {dimension_semantics = [#tpu.dimension_semantics<core_parallel>, #tpu.dimension_semantics<subcore_parallel>], iteration_bounds = array<i64: 2, 16>, scalar_prefetch = 0 : i64, scratch_operands = 7 : i64, tpu.core_type = #tpu.core_type<sc_vector_subcore>, window_params = [{transform_indices = #map}, {transform_indices = #map}, {transform_indices = #map1}]} {
    %mul3A = arith.constant 2 : i32
    %mul3A_0 = arith.muli %arg1, %mul3A : i32
    %add3A = arith.addi %mul3A_0, %arg0 : i32
    %mul3A_1 = arith.constant 128 : i32
    %mul3A_2 = arith.muli %add3A, %mul3A_1 : i32
    %iota3A = tpu.iota {dimensions = array<i32: 0>} : vector<16xi32>
    %add3A_3 = arith.constant 0 : i32
    %add3A_4 = vector.broadcast %add3A_3 : i32 to vector<16xi32>
    %add3A_5 = arith.addi %add3A_4, %iota3A : vector<16xi32>
    %jit3A = arith.constant 8 : i32
    %div3A = vector.broadcast %jit3A : i32 to vector<16xi32>
    %div3A_6 = arith.divsi %add3A_5, %div3A : vector<16xi32>
    %sign3A = arith.constant 0 : i32
    %sign3A_7 = vector.broadcast %sign3A : i32 to vector<16xi32>
    %sign3A_8 = arith.cmpi sgt, %add3A_5, %sign3A_7 : vector<16xi32>
    %sign3A_9 = arith.extui %sign3A_8 : vector<16xi1> to vector<16xi32>
    %sign3A_10 = arith.constant 0 : i32
    %sign3A_11 = vector.broadcast %sign3A_10 : i32 to vector<16xi32>
    %sign3A_12 = arith.cmpi slt, %add3A_5, %sign3A_11 : vector<16xi32>
    %sign3A_13 = arith.extui %sign3A_12 : vector<16xi1> to vector<16xi32>
    %sign3A_14 = arith.subi %sign3A_9, %sign3A_13 : vector<16xi32>
    %sign3A_15 = arith.constant 0 : i32
    %sign3A_16 = arith.cmpi sgt, %jit3A, %sign3A_15 : i32
    %sign3A_17 = arith.extui %sign3A_16 : i1 to i32
    %sign3A_18 = arith.constant 0 : i32
    %sign3A_19 = arith.cmpi slt, %jit3A, %sign3A_18 : i32
    %sign3A_20 = arith.extui %sign3A_19 : i1 to i32
    %sign3A_21 = arith.subi %sign3A_17, %sign3A_20 : i32
    %ne3A = vector.broadcast %sign3A_21 : i32 to vector<16xi32>
    %ne3A_22 = arith.cmpi ne, %sign3A_14, %ne3A : vector<16xi32>
    %rem3A = vector.broadcast %jit3A : i32 to vector<16xi32>
    %rem3A_23 = arith.remsi %add3A_5, %rem3A : vector<16xi32>
    %ne3A_24 = arith.constant 0 : i32
    %ne3A_25 = vector.broadcast %ne3A_24 : i32 to vector<16xi32>
    %ne3A_26 = arith.cmpi ne, %rem3A_23, %ne3A_25 : vector<16xi32>
    %and3A = arith.andi %ne3A_22, %ne3A_26 : vector<16xi1>
    %sub3A = arith.constant 1 : i32
    %sub3A_27 = vector.broadcast %sub3A : i32 to vector<16xi32>
    %sub3A_28 = arith.subi %div3A_6, %sub3A_27 : vector<16xi32>
    %select_n3A = arith.select %and3A, %sub3A_28, %div3A_6 : vector<16xi1>, vector<16xi32>
    %add3A_29 = arith.constant 16 : i32
    %add3A_30 = vector.broadcast %add3A_29 : i32 to vector<16xi32>
    %add3A_31 = arith.addi %add3A_30, %iota3A : vector<16xi32>
    %jit3A_32 = arith.constant 8 : i32
    %div3A_33 = vector.broadcast %jit3A_32 : i32 to vector<16xi32>
    %div3A_34 = arith.divsi %add3A_31, %div3A_33 : vector<16xi32>
    %sign3A_35 = arith.constant 0 : i32
    %sign3A_36 = vector.broadcast %sign3A_35 : i32 to vector<16xi32>
    %sign3A_37 = arith.cmpi sgt, %add3A_31, %sign3A_36 : vector<16xi32>
    %sign3A_38 = arith.extui %sign3A_37 : vector<16xi1> to vector<16xi32>
    %sign3A_39 = arith.constant 0 : i32
    %sign3A_40 = vector.broadcast %sign3A_39 : i32 to vector<16xi32>
    %sign3A_41 = arith.cmpi slt, %add3A_31, %sign3A_40 : vector<16xi32>
    %sign3A_42 = arith.extui %sign3A_41 : vector<16xi1> to vector<16xi32>
    %sign3A_43 = arith.subi %sign3A_38, %sign3A_42 : vector<16xi32>
    %sign3A_44 = arith.constant 0 : i32
    %sign3A_45 = arith.cmpi sgt, %jit3A_32, %sign3A_44 : i32
    %sign3A_46 = arith.extui %sign3A_45 : i1 to i32
    %sign3A_47 = arith.constant 0 : i32
    %sign3A_48 = arith.cmpi slt, %jit3A_32, %sign3A_47 : i32
    %sign3A_49 = arith.extui %sign3A_48 : i1 to i32
    %sign3A_50 = arith.subi %sign3A_46, %sign3A_49 : i32
    %ne3A_51 = vector.broadcast %sign3A_50 : i32 to vector<16xi32>
    %ne3A_52 = arith.cmpi ne, %sign3A_43, %ne3A_51 : vector<16xi32>
    %rem3A_53 = vector.broadcast %jit3A_32 : i32 to vector<16xi32>
    %rem3A_54 = arith.remsi %add3A_31, %rem3A_53 : vector<16xi32>
    %ne3A_55 = arith.constant 0 : i32
    %ne3A_56 = vector.broadcast %ne3A_55 : i32 to vector<16xi32>
    %ne3A_57 = arith.cmpi ne, %rem3A_54, %ne3A_56 : vector<16xi32>
    %and3A_58 = arith.andi %ne3A_52, %ne3A_57 : vector<16xi1>
    %sub3A_59 = arith.constant 1 : i32
    %sub3A_60 = vector.broadcast %sub3A_59 : i32 to vector<16xi32>
    %sub3A_61 = arith.subi %div3A_34, %sub3A_60 : vector<16xi32>
    %select_n3A_62 = arith.select %and3A_58, %sub3A_61, %div3A_34 : vector<16xi1>, vector<16xi32>
    %add3A_63 = arith.constant 32 : i32
    %add3A_64 = vector.broadcast %add3A_63 : i32 to vector<16xi32>
    %add3A_65 = arith.addi %add3A_64, %iota3A : vector<16xi32>
    %jit3A_66 = arith.constant 8 : i32
    %div3A_67 = vector.broadcast %jit3A_66 : i32 to vector<16xi32>
    %div3A_68 = arith.divsi %add3A_65, %div3A_67 : vector<16xi32>
    %sign3A_69 = arith.constant 0 : i32
    %sign3A_70 = vector.broadcast %sign3A_69 : i32 to vector<16xi32>
    %sign3A_71 = arith.cmpi sgt, %add3A_65, %sign3A_70 : vector<16xi32>
    %sign3A_72 = arith.extui %sign3A_71 : vector<16xi1> to vector<16xi32>
    %sign3A_73 = arith.constant 0 : i32
    %sign3A_74 = vector.broadcast %sign3A_73 : i32 to vector<16xi32>
    %sign3A_75 = arith.cmpi slt, %add3A_65, %sign3A_74 : vector<16xi32>
    %sign3A_76 = arith.extui %sign3A_75 : vector<16xi1> to vector<16xi32>
    %sign3A_77 = arith.subi %sign3A_72, %sign3A_76 : vector<16xi32>
    %sign3A_78 = arith.constant 0 : i32
    %sign3A_79 = arith.cmpi sgt, %jit3A_66, %sign3A_78 : i32
    %sign3A_80 = arith.extui %sign3A_79 : i1 to i32
    %sign3A_81 = arith.constant 0 : i32
    %sign3A_82 = arith.cmpi slt, %jit3A_66, %sign3A_81 : i32
    %sign3A_83 = arith.extui %sign3A_82 : i1 to i32
    %sign3A_84 = arith.subi %sign3A_80, %sign3A_83 : i32
    %ne3A_85 = vector.broadcast %sign3A_84 : i32 to vector<16xi32>
    %ne3A_86 = arith.cmpi ne, %sign3A_77, %ne3A_85 : vector<16xi32>
    %rem3A_87 = vector.broadcast %jit3A_66 : i32 to vector<16xi32>
    %rem3A_88 = arith.remsi %add3A_65, %rem3A_87 : vector<16xi32>
    %ne3A_89 = arith.constant 0 : i32
    %ne3A_90 = vector.broadcast %ne3A_89 : i32 to vector<16xi32>
    %ne3A_91 = arith.cmpi ne, %rem3A_88, %ne3A_90 : vector<16xi32>
    %and3A_92 = arith.andi %ne3A_86, %ne3A_91 : vector<16xi1>
    %sub3A_93 = arith.constant 1 : i32
    %sub3A_94 = vector.broadcast %sub3A_93 : i32 to vector<16xi32>
    %sub3A_95 = arith.subi %div3A_68, %sub3A_94 : vector<16xi32>
    %select_n3A_96 = arith.select %and3A_92, %sub3A_95, %div3A_68 : vector<16xi1>, vector<16xi32>
    %add3A_97 = arith.constant 48 : i32
    %add3A_98 = vector.broadcast %add3A_97 : i32 to vector<16xi32>
    %add3A_99 = arith.addi %add3A_98, %iota3A : vector<16xi32>
    %jit3A_100 = arith.constant 8 : i32
    %div3A_101 = vector.broadcast %jit3A_100 : i32 to vector<16xi32>
    %div3A_102 = arith.divsi %add3A_99, %div3A_101 : vector<16xi32>
    %sign3A_103 = arith.constant 0 : i32
    %sign3A_104 = vector.broadcast %sign3A_103 : i32 to vector<16xi32>
    %sign3A_105 = arith.cmpi sgt, %add3A_99, %sign3A_104 : vector<16xi32>
    %sign3A_106 = arith.extui %sign3A_105 : vector<16xi1> to vector<16xi32>
    %sign3A_107 = arith.constant 0 : i32
    %sign3A_108 = vector.broadcast %sign3A_107 : i32 to vector<16xi32>
    %sign3A_109 = arith.cmpi slt, %add3A_99, %sign3A_108 : vector<16xi32>
    %sign3A_110 = arith.extui %sign3A_109 : vector<16xi1> to vector<16xi32>
    %sign3A_111 = arith.subi %sign3A_106, %sign3A_110 : vector<16xi32>
    %sign3A_112 = arith.constant 0 : i32
    %sign3A_113 = arith.cmpi sgt, %jit3A_100, %sign3A_112 : i32
    %sign3A_114 = arith.extui %sign3A_113 : i1 to i32
    %sign3A_115 = arith.constant 0 : i32
    %sign3A_116 = arith.cmpi slt, %jit3A_100, %sign3A_115 : i32
    %sign3A_117 = arith.extui %sign3A_116 : i1 to i32
    %sign3A_118 = arith.subi %sign3A_114, %sign3A_117 : i32
    %ne3A_119 = vector.broadcast %sign3A_118 : i32 to vector<16xi32>
    %ne3A_120 = arith.cmpi ne, %sign3A_111, %ne3A_119 : vector<16xi32>
    %rem3A_121 = vector.broadcast %jit3A_100 : i32 to vector<16xi32>
    %rem3A_122 = arith.remsi %add3A_99, %rem3A_121 : vector<16xi32>
    %ne3A_123 = arith.constant 0 : i32
    %ne3A_124 = vector.broadcast %ne3A_123 : i32 to vector<16xi32>
    %ne3A_125 = arith.cmpi ne, %rem3A_122, %ne3A_124 : vector<16xi32>
    %and3A_126 = arith.andi %ne3A_120, %ne3A_125 : vector<16xi1>
    %sub3A_127 = arith.constant 1 : i32
    %sub3A_128 = vector.broadcast %sub3A_127 : i32 to vector<16xi32>
    %sub3A_129 = arith.subi %div3A_102, %sub3A_128 : vector<16xi32>
    %select_n3A_130 = arith.select %and3A_126, %sub3A_129, %div3A_102 : vector<16xi1>, vector<16xi32>
    %add3A_131 = arith.constant 0 : i32
    %add3A_132 = vector.broadcast %add3A_131 : i32 to vector<16xi32>
    %add3A_133 = arith.addi %add3A_132, %iota3A : vector<16xi32>
    %jit3A_134 = arith.constant 8 : i32
    %eq3A = arith.constant 0 : i32
    %eq3A_135 = arith.cmpi eq, %jit3A_134, %eq3A : i32
    %jit3A_136 = arith.constant 1 : i32
    %select_n3A_137 = arith.select %eq3A_135, %jit3A_136, %jit3A_134 : i32
    %rem3A_138 = vector.broadcast %select_n3A_137 : i32 to vector<16xi32>
    %rem3A_139 = arith.remsi %add3A_133, %rem3A_138 : vector<16xi32>
    %ne3A_140 = arith.constant 0 : i32
    %ne3A_141 = vector.broadcast %ne3A_140 : i32 to vector<16xi32>
    %ne3A_142 = arith.cmpi ne, %rem3A_139, %ne3A_141 : vector<16xi32>
    %lt3A = arith.constant 0 : i32
    %lt3A_143 = vector.broadcast %lt3A : i32 to vector<16xi32>
    %lt3A_144 = arith.cmpi slt, %rem3A_139, %lt3A_143 : vector<16xi32>
    %lt3A_145 = arith.constant 0 : i32
    %lt3A_146 = arith.cmpi slt, %select_n3A_137, %lt3A_145 : i32
    %ne3A_147 = vector.broadcast %lt3A_146 : i1 to vector<16xi1>
    %ne3A_148 = vector.broadcast %ne3A_147 : vector<16xi1> to vector<16xi1>
    %ne3A_149 = arith.xori %lt3A_144, %ne3A_148 : vector<16xi1>
    %and3A_150 = arith.andi %ne3A_149, %ne3A_142 : vector<16xi1>
    %add3A_151 = vector.broadcast %select_n3A_137 : i32 to vector<16xi32>
    %add3A_152 = arith.addi %rem3A_139, %add3A_151 : vector<16xi32>
    %select_n3A_153 = arith.select %and3A_150, %add3A_152, %rem3A_139 : vector<16xi1>, vector<16xi32>
    %add3A_154 = arith.constant 16 : i32
    %add3A_155 = vector.broadcast %add3A_154 : i32 to vector<16xi32>
    %add3A_156 = arith.addi %add3A_155, %iota3A : vector<16xi32>
    %jit3A_157 = arith.constant 8 : i32
    %eq3A_158 = arith.constant 0 : i32
    %eq3A_159 = arith.cmpi eq, %jit3A_157, %eq3A_158 : i32
    %jit3A_160 = arith.constant 1 : i32
    %select_n3A_161 = arith.select %eq3A_159, %jit3A_160, %jit3A_157 : i32
    %rem3A_162 = vector.broadcast %select_n3A_161 : i32 to vector<16xi32>
    %rem3A_163 = arith.remsi %add3A_156, %rem3A_162 : vector<16xi32>
    %ne3A_164 = arith.constant 0 : i32
    %ne3A_165 = vector.broadcast %ne3A_164 : i32 to vector<16xi32>
    %ne3A_166 = arith.cmpi ne, %rem3A_163, %ne3A_165 : vector<16xi32>
    %lt3A_167 = arith.constant 0 : i32
    %lt3A_168 = vector.broadcast %lt3A_167 : i32 to vector<16xi32>
    %lt3A_169 = arith.cmpi slt, %rem3A_163, %lt3A_168 : vector<16xi32>
    %lt3A_170 = arith.constant 0 : i32
    %lt3A_171 = arith.cmpi slt, %select_n3A_161, %lt3A_170 : i32
    %ne3A_172 = vector.broadcast %lt3A_171 : i1 to vector<16xi1>
    %ne3A_173 = vector.broadcast %ne3A_172 : vector<16xi1> to vector<16xi1>
    %ne3A_174 = arith.xori %lt3A_169, %ne3A_173 : vector<16xi1>
    %and3A_175 = arith.andi %ne3A_174, %ne3A_166 : vector<16xi1>
    %add3A_176 = vector.broadcast %select_n3A_161 : i32 to vector<16xi32>
    %add3A_177 = arith.addi %rem3A_163, %add3A_176 : vector<16xi32>
    %select_n3A_178 = arith.select %and3A_175, %add3A_177, %rem3A_163 : vector<16xi1>, vector<16xi32>
    %add3A_179 = arith.constant 32 : i32
    %add3A_180 = vector.broadcast %add3A_179 : i32 to vector<16xi32>
    %add3A_181 = arith.addi %add3A_180, %iota3A : vector<16xi32>
    %jit3A_182 = arith.constant 8 : i32
    %eq3A_183 = arith.constant 0 : i32
    %eq3A_184 = arith.cmpi eq, %jit3A_182, %eq3A_183 : i32
    %jit3A_185 = arith.constant 1 : i32
    %select_n3A_186 = arith.select %eq3A_184, %jit3A_185, %jit3A_182 : i32
    %rem3A_187 = vector.broadcast %select_n3A_186 : i32 to vector<16xi32>
    %rem3A_188 = arith.remsi %add3A_181, %rem3A_187 : vector<16xi32>
    %ne3A_189 = arith.constant 0 : i32
    %ne3A_190 = vector.broadcast %ne3A_189 : i32 to vector<16xi32>
    %ne3A_191 = arith.cmpi ne, %rem3A_188, %ne3A_190 : vector<16xi32>
    %lt3A_192 = arith.constant 0 : i32
    %lt3A_193 = vector.broadcast %lt3A_192 : i32 to vector<16xi32>
    %lt3A_194 = arith.cmpi slt, %rem3A_188, %lt3A_193 : vector<16xi32>
    %lt3A_195 = arith.constant 0 : i32
    %lt3A_196 = arith.cmpi slt, %select_n3A_186, %lt3A_195 : i32
    %ne3A_197 = vector.broadcast %lt3A_196 : i1 to vector<16xi1>
    %ne3A_198 = vector.broadcast %ne3A_197 : vector<16xi1> to vector<16xi1>
    %ne3A_199 = arith.xori %lt3A_194, %ne3A_198 : vector<16xi1>
    %and3A_200 = arith.andi %ne3A_199, %ne3A_191 : vector<16xi1>
    %add3A_201 = vector.broadcast %select_n3A_186 : i32 to vector<16xi32>
    %add3A_202 = arith.addi %rem3A_188, %add3A_201 : vector<16xi32>
    %select_n3A_203 = arith.select %and3A_200, %add3A_202, %rem3A_188 : vector<16xi1>, vector<16xi32>
    %add3A_204 = arith.constant 48 : i32
    %add3A_205 = vector.broadcast %add3A_204 : i32 to vector<16xi32>
    %add3A_206 = arith.addi %add3A_205, %iota3A : vector<16xi32>
    %jit3A_207 = arith.constant 8 : i32
    %eq3A_208 = arith.constant 0 : i32
    %eq3A_209 = arith.cmpi eq, %jit3A_207, %eq3A_208 : i32
    %jit3A_210 = arith.constant 1 : i32
    %select_n3A_211 = arith.select %eq3A_209, %jit3A_210, %jit3A_207 : i32
    %rem3A_212 = vector.broadcast %select_n3A_211 : i32 to vector<16xi32>
    %rem3A_213 = arith.remsi %add3A_206, %rem3A_212 : vector<16xi32>
    %ne3A_214 = arith.constant 0 : i32
    %ne3A_215 = vector.broadcast %ne3A_214 : i32 to vector<16xi32>
    %ne3A_216 = arith.cmpi ne, %rem3A_213, %ne3A_215 : vector<16xi32>
    %lt3A_217 = arith.constant 0 : i32
    %lt3A_218 = vector.broadcast %lt3A_217 : i32 to vector<16xi32>
    %lt3A_219 = arith.cmpi slt, %rem3A_213, %lt3A_218 : vector<16xi32>
    %lt3A_220 = arith.constant 0 : i32
    %lt3A_221 = arith.cmpi slt, %select_n3A_211, %lt3A_220 : i32
    %ne3A_222 = vector.broadcast %lt3A_221 : i1 to vector<16xi1>
    %ne3A_223 = vector.broadcast %ne3A_222 : vector<16xi1> to vector<16xi1>
    %ne3A_224 = arith.xori %lt3A_219, %ne3A_223 : vector<16xi1>
    %and3A_225 = arith.andi %ne3A_224, %ne3A_216 : vector<16xi1>
    %add3A_226 = vector.broadcast %select_n3A_211 : i32 to vector<16xi32>
    %add3A_227 = arith.addi %rem3A_213, %add3A_226 : vector<16xi32>
    %select_n3A_228 = arith.select %and3A_225, %add3A_227, %rem3A_213 : vector<16xi1>, vector<16xi32>
    "tpu.region"() ({
      %run_scoped3A = tpu.sem_alloc : memref<!tpu.dma_semaphore, #tpu.memory_space<semaphore_mem>>
      %dma_start3A_304 = arith.constant 0 : i32
      %dma_start3A_305 = tpu.memref_slice %arg2[%dma_start3A_304, %mul3A_2] : memref<200x4096xi32, #tpu.memory_space<hbm>> -> memref<200x128xi32, #tpu.memory_space<hbm>>
      %dma_start3A_306 = arith.constant 0 : i32
      %dma_start3A_307 = tpu.memref_slice %arg2[%dma_start3A_306, %mul3A_2] : memref<200x4096xi32, #tpu.memory_space<hbm>> -> memref<200x128xi32, #tpu.memory_space<hbm>>
      tpu.enqueue_dma source(%dma_start3A_307 : memref<200x128xi32, #tpu.memory_space<hbm>>) target(%arg5 : memref<200x128xi32, #tpu.memory_space<vmem>>) target_semaphore(%run_scoped3A : memref<!tpu.dma_semaphore, #tpu.memory_space<semaphore_mem>>)
      %dma_wait3A_308 = arith.constant 0 : i32
      %dma_wait3A_309 = tpu.memref_slice %arg2[%dma_wait3A_308, %mul3A_2] : memref<200x4096xi32, #tpu.memory_space<hbm>> -> memref<200x128xi32, #tpu.memory_space<hbm>>
      %dma_wait3A_310 = arith.constant 0 : i32
      %dma_wait3A_311 = tpu.memref_slice %arg2[%dma_wait3A_310, %mul3A_2] : memref<200x4096xi32, #tpu.memory_space<hbm>> -> memref<200x128xi32, #tpu.memory_space<hbm>>
      tpu.wait_dma2 semaphore(%run_scoped3A : memref<!tpu.dma_semaphore, #tpu.memory_space<semaphore_mem>>) src(%dma_wait3A_311 : memref<200x128xi32, #tpu.memory_space<hbm>>) dst(%arg5 : memref<200x128xi32, #tpu.memory_space<vmem>>)
      tpu.yield
    }) : () -> ()
    %dma_start3A = arith.constant 0 : i32
    %dma_start3A_229 = arith.constant 0 : i32
    %dma_start3A_230 = arith.constant 0 : i32
    %dma_start3A_231 = arith.constant 0 : i32
    %dma_start3A_232 = tpu.memref_slice %arg6[%dma_start3A_229, %dma_start3A_230, %dma_start3A_231] : memref<2x128x64xf32, #tpu.memory_space<vmem>> -> memref<1x128x64xf32, #tpu.memory_space<vmem>>
    %dma_start3A_233 = tpu.memref_squeeze %dma_start3A_232 : memref<1x128x64xf32, #tpu.memory_space<vmem>> -> memref<128x64xf32, #tpu.memory_space<vmem>>
    %dma_start3A_234 = arith.constant 0 : i32
    %dma_start3A_235 = tpu.memref_slice %arg5[%dma_start3A, %dma_start3A_234] : memref<200x128xi32, #tpu.memory_space<vmem>> -> memref<1x128xi32, #tpu.memory_space<vmem>>
    %dma_start3A_236 = tpu.memref_squeeze %dma_start3A_235 : memref<1x128xi32, #tpu.memory_space<vmem>> -> memref<128xi32, #tpu.memory_space<vmem>>
    %dma_start3A_237 = arith.constant 0 : i32
    %dma_start3A_238 = arith.constant 0 : i32
    %dma_start3A_239 = tpu.memref_slice %arg3[%dma_start3A_237, %dma_start3A_238] : memref<1000000x64xf32, #tpu.memory_space<hbm>> -> memref<1000000x64xf32, #tpu.memory_space<hbm>>
    tpu.enqueue_indirect_dma source(%dma_start3A_239 : memref<1000000x64xf32, #tpu.memory_space<hbm>>) target(%dma_start3A_233 : memref<128x64xf32, #tpu.memory_space<vmem>>) offsets(%dma_start3A_236 : memref<128xi32, #tpu.memory_space<vmem>>) semaphore(%arg8 : memref<!tpu.dma_semaphore, #tpu.memory_space<semaphore_mem>>)
    %scan3A = arith.constant 0 : i32
    %scan3A_240 = arith.constant 0 : i32
    %scan3A_241 = arith.constant 100 : i32
    %scan3A_242 = arith.addi %scan3A_240, %scan3A_241 : i32
    %scan3A_243 = arith.constant 1 : i32
    scf.for %scan3A_304 = %scan3A_240 to %scan3A_242 step %scan3A_243  : i32 {
      %mul3A_305 = arith.constant 2 : i32
      %mul3A_306 = arith.muli %mul3A_305, %scan3A_304 : i32
      %add3A_307 = arith.constant 0 : i32
      %add3A_308 = arith.addi %mul3A_306, %add3A_307 : i32
      %add3A_309 = arith.constant 1 : i32
      %add3A_310 = arith.addi %add3A_308, %add3A_309 : i32
      %lt3A_311 = arith.constant 200 : i32
      %lt3A_312 = arith.cmpi slt, %add3A_310, %lt3A_311 : i32
      %convert_element_type3A = arith.extui %lt3A_312 : i1 to i32
      %cond3A = arith.constant 0 : i32
      %cond3A_313 = arith.cmpi ne, %convert_element_type3A, %cond3A : i32
      scf.if %cond3A_313 {
        %add3A_421 = arith.constant 1 : i32
        %add3A_422 = arith.addi %add3A_308, %add3A_421 : i32
        %dma_start3A_423 = arith.constant 1 : i32
        %dma_start3A_424 = arith.constant 0 : i32
        %dma_start3A_425 = arith.constant 0 : i32
        %dma_start3A_426 = tpu.memref_slice %arg6[%dma_start3A_423, %dma_start3A_424, %dma_start3A_425] : memref<2x128x64xf32, #tpu.memory_space<vmem>> -> memref<1x128x64xf32, #tpu.memory_space<vmem>>
        %dma_start3A_427 = tpu.memref_squeeze %dma_start3A_426 : memref<1x128x64xf32, #tpu.memory_space<vmem>> -> memref<128x64xf32, #tpu.memory_space<vmem>>
        %dma_start3A_428 = arith.constant 0 : i32
        %dma_start3A_429 = tpu.memref_slice %arg5[%add3A_422, %dma_start3A_428] : memref<200x128xi32, #tpu.memory_space<vmem>> -> memref<1x128xi32, #tpu.memory_space<vmem>>
        %dma_start3A_430 = tpu.memref_squeeze %dma_start3A_429 : memref<1x128xi32, #tpu.memory_space<vmem>> -> memref<128xi32, #tpu.memory_space<vmem>>
        %dma_start3A_431 = arith.constant 0 : i32
        %dma_start3A_432 = arith.constant 0 : i32
        %dma_start3A_433 = tpu.memref_slice %arg3[%dma_start3A_431, %dma_start3A_432] : memref<1000000x64xf32, #tpu.memory_space<hbm>> -> memref<1000000x64xf32, #tpu.memory_space<hbm>>
        tpu.enqueue_indirect_dma source(%dma_start3A_433 : memref<1000000x64xf32, #tpu.memory_space<hbm>>) target(%dma_start3A_427 : memref<128x64xf32, #tpu.memory_space<vmem>>) offsets(%dma_start3A_430 : memref<128xi32, #tpu.memory_space<vmem>>) semaphore(%arg9 : memref<!tpu.dma_semaphore, #tpu.memory_space<semaphore_mem>>)
      } else {
      }
      %dma_wait3A_314 = arith.constant 0 : i32
      %dma_wait3A_315 = arith.constant 0 : i32
      %dma_wait3A_316 = arith.constant 0 : i32
      %dma_wait3A_317 = tpu.memref_slice %arg6[%dma_wait3A_314, %dma_wait3A_315, %dma_wait3A_316] : memref<2x128x64xf32, #tpu.memory_space<vmem>> -> memref<1x128x64xf32, #tpu.memory_space<vmem>>
      %dma_wait3A_318 = tpu.memref_squeeze %dma_wait3A_317 : memref<1x128x64xf32, #tpu.memory_space<vmem>> -> memref<128x64xf32, #tpu.memory_space<vmem>>
      %dma_wait3A_319 = arith.constant 0 : i32
      %dma_wait3A_320 = tpu.memref_slice %arg5[%add3A_308, %dma_wait3A_319] : memref<200x128xi32, #tpu.memory_space<vmem>> -> memref<1x128xi32, #tpu.memory_space<vmem>>
      %dma_wait3A_321 = tpu.memref_squeeze %dma_wait3A_320 : memref<1x128xi32, #tpu.memory_space<vmem>> -> memref<128xi32, #tpu.memory_space<vmem>>
      %dma_wait3A_322 = arith.constant 0 : i32
      %dma_wait3A_323 = arith.constant 0 : i32
      %dma_wait3A_324 = tpu.memref_slice %arg3[%dma_wait3A_322, %dma_wait3A_323] : memref<1000000x64xf32, #tpu.memory_space<hbm>> -> memref<1000000x64xf32, #tpu.memory_space<hbm>>
      tpu.wait_indirect_dma semaphore(%arg8 : memref<!tpu.dma_semaphore, #tpu.memory_space<semaphore_mem>>) src(%dma_wait3A_324 : memref<1000000x64xf32, #tpu.memory_space<hbm>>) dst(%dma_wait3A_318 : memref<128x64xf32, #tpu.memory_space<vmem>>)
      %ge3A = arith.constant 2 : i32
      %ge3A_325 = arith.cmpi sge, %add3A_308, %ge3A : i32
      %convert_element_type3A_326 = arith.extui %ge3A_325 : i1 to i32
      %cond3A_327 = arith.constant 0 : i32
      %cond3A_328 = arith.cmpi ne, %convert_element_type3A_326, %cond3A_327 : i32
      scf.if %cond3A_328 {
        %sub3A_421 = arith.constant 2 : i32
        %sub3A_422 = arith.subi %add3A_308, %sub3A_421 : i32
        %dma_wait3A_423 = arith.constant 0 : i32
        %dma_wait3A_424 = arith.constant 0 : i32
        %dma_wait3A_425 = arith.constant 0 : i32
        %dma_wait3A_426 = arith.constant 0 : i32
        %dma_wait3A_427 = tpu.memref_slice %arg7[%dma_wait3A_423, %dma_wait3A_424, %dma_wait3A_425, %dma_wait3A_426] : memref<2x8x8x129xf32, #tpu.memory_space<vmem>> -> memref<1x8x8x129xf32, #tpu.memory_space<vmem>>
        %dma_wait3A_428 = tpu.memref_squeeze %dma_wait3A_427 : memref<1x8x8x129xf32, #tpu.memory_space<vmem>> -> memref<8x8x129xf32, #tpu.memory_space<vmem>>
        %dma_wait3A_429 = arith.constant 0 : i32
        %dma_wait3A_430 = arith.constant 0 : i32
        %dma_wait3A_431 = arith.constant 0 : i32
        %dma_wait3A_432 = tpu.memref_slice %dma_wait3A_428[%dma_wait3A_429, %dma_wait3A_430, %dma_wait3A_431] : memref<8x8x129xf32, #tpu.memory_space<vmem>> -> memref<8x8x128xf32, #tpu.memory_space<vmem>>
        %dma_wait3A_433 = arith.constant 0 : i32
        %dma_wait3A_434 = arith.constant 0 : i32
        %dma_wait3A_435 = arith.constant 0 : i32
        %dma_wait3A_436 = tpu.memref_slice %arg4[%sub3A_422, %dma_wait3A_433, %add3A, %dma_wait3A_434, %dma_wait3A_435] : memref<200x8x32x8x128xf32, #tpu.memory_space<hbm>> -> memref<1x8x1x8x128xf32, #tpu.memory_space<hbm>>
        %dma_wait3A_437 = tpu.memref_squeeze %dma_wait3A_436 : memref<1x8x1x8x128xf32, #tpu.memory_space<hbm>> -> memref<8x8x128xf32, #tpu.memory_space<hbm>>
        %dma_wait3A_438 = arith.constant 0 : i32
        %dma_wait3A_439 = arith.constant 0 : i32
        %dma_wait3A_440 = arith.constant 0 : i32
        %dma_wait3A_441 = tpu.memref_slice %arg4[%sub3A_422, %dma_wait3A_438, %add3A, %dma_wait3A_439, %dma_wait3A_440] : memref<200x8x32x8x128xf32, #tpu.memory_space<hbm>> -> memref<1x8x1x8x128xf32, #tpu.memory_space<hbm>>
        %dma_wait3A_442 = tpu.memref_squeeze %dma_wait3A_441 : memref<1x8x1x8x128xf32, #tpu.memory_space<hbm>> -> memref<8x8x128xf32, #tpu.memory_space<hbm>>
        %dma_wait3A_443 = arith.constant 0 : i32
        %dma_wait3A_444 = arith.constant 0 : i32
        %dma_wait3A_445 = arith.constant 0 : i32
        %dma_wait3A_446 = tpu.memref_slice %arg7[%dma_wait3A_423, %dma_wait3A_443, %dma_wait3A_444, %dma_wait3A_445] : memref<2x8x8x129xf32, #tpu.memory_space<vmem>> -> memref<1x8x8x129xf32, #tpu.memory_space<vmem>>
        %dma_wait3A_447 = tpu.memref_squeeze %dma_wait3A_446 : memref<1x8x8x129xf32, #tpu.memory_space<vmem>> -> memref<8x8x129xf32, #tpu.memory_space<vmem>>
        %dma_wait3A_448 = arith.constant 0 : i32
        %dma_wait3A_449 = arith.constant 0 : i32
        %dma_wait3A_450 = arith.constant 0 : i32
        %dma_wait3A_451 = tpu.memref_slice %dma_wait3A_447[%dma_wait3A_448, %dma_wait3A_449, %dma_wait3A_450] : memref<8x8x129xf32, #tpu.memory_space<vmem>> -> memref<8x8x128xf32, #tpu.memory_space<vmem>>
        tpu.wait_dma2 semaphore(%arg10 : memref<!tpu.dma_semaphore, #tpu.memory_space<semaphore_mem>>) src(%dma_wait3A_451 : memref<8x8x128xf32, #tpu.memory_space<vmem>>) dst(%dma_wait3A_442 : memref<8x8x128xf32, #tpu.memory_space<hbm>>)
      } else {
      }
      %parallel_loop3A = arith.constant 0 : i32
      %parallel_loop3A_329 = arith.constant 128 : i32
      %parallel_loop3A_330 = arith.constant 1 : i32
      %parallel_loop3A_331 = arith.constant 0 : i32
      %parallel_loop3A_332 = arith.constant 0 : i32
      scf.for %parallel_loop3A_421 = %parallel_loop3A to %parallel_loop3A_329 step %parallel_loop3A_330  : i32 {
        %parallel_loop3A_422 = vector.broadcast %parallel_loop3A_421 : i32 to vector<16xi32>
        %parallel_loop3A_423 = arith.constant 0 : i32
        %parallel_loop3A_424 = arith.constant 0 : i32
        %parallel_loop3A_425 = tpu.memref_slice %arg6[%parallel_loop3A_331, %parallel_loop3A_423, %parallel_loop3A_424] : memref<2x128x64xf32, #tpu.memory_space<vmem>> -> memref<1x128x64xf32, #tpu.memory_space<vmem>>
        %parallel_loop3A_426 = tpu.memref_squeeze %parallel_loop3A_425 : memref<1x128x64xf32, #tpu.memory_space<vmem>> -> memref<128x64xf32, #tpu.memory_space<vmem>>
        %parallel_loop3A_427 = arith.index_cast %parallel_loop3A_421 : i32 to index
        %parallel_loop3A_428 = arith.constant 0 : index
        %parallel_loop3A_429 = tpu.vector_load %parallel_loop3A_426[%parallel_loop3A_427, %parallel_loop3A_428] {strides = array<i32>} : memref<128x64xf32, #tpu.memory_space<vmem>>, vector<16xf32>,
        %parallel_loop3A_430 = arith.constant 0 : i32
        %parallel_loop3A_431 = arith.constant 0 : i32
        %parallel_loop3A_432 = arith.constant 0 : i32
        %parallel_loop3A_433 = tpu.memref_slice %arg7[%parallel_loop3A_332, %parallel_loop3A_430, %parallel_loop3A_431, %parallel_loop3A_432] : memref<2x8x8x129xf32, #tpu.memory_space<vmem>> -> memref<1x8x8x129xf32, #tpu.memory_space<vmem>>
        %parallel_loop3A_434 = tpu.memref_squeeze %parallel_loop3A_433 : memref<1x8x8x129xf32, #tpu.memory_space<vmem>> -> memref<8x8x129xf32, #tpu.memory_space<vmem>>
        tpu.vector_store_idx %parallel_loop3A_434[%select_n3A, %select_n3A_153, %parallel_loop3A_422], %parallel_loop3A_429 : memref<8x8x129xf32, #tpu.memory_space<vmem>>[vector<16xi32>, vector<16xi32>, vector<16xi32>], vector<16xf32>,
        %parallel_loop3A_435 = arith.constant 0 : i32
        %parallel_loop3A_436 = arith.constant 0 : i32
        %parallel_loop3A_437 = tpu.memref_slice %arg6[%parallel_loop3A_331, %parallel_loop3A_435, %parallel_loop3A_436] : memref<2x128x64xf32, #tpu.memory_space<vmem>> -> memref<1x128x64xf32, #tpu.memory_space<vmem>>
        %parallel_loop3A_438 = tpu.memref_squeeze %parallel_loop3A_437 : memref<1x128x64xf32, #tpu.memory_space<vmem>> -> memref<128x64xf32, #tpu.memory_space<vmem>>
        %parallel_loop3A_439 = arith.index_cast %parallel_loop3A_421 : i32 to index
        %parallel_loop3A_440 = arith.constant 16 : index
        %parallel_loop3A_441 = tpu.vector_load %parallel_loop3A_438[%parallel_loop3A_439, %parallel_loop3A_440] {strides = array<i32>} : memref<128x64xf32, #tpu.memory_space<vmem>>, vector<16xf32>,
        %parallel_loop3A_442 = arith.constant 0 : i32
        %parallel_loop3A_443 = arith.constant 0 : i32
        %parallel_loop3A_444 = arith.constant 0 : i32
        %parallel_loop3A_445 = tpu.memref_slice %arg7[%parallel_loop3A_332, %parallel_loop3A_442, %parallel_loop3A_443, %parallel_loop3A_444] : memref<2x8x8x129xf32, #tpu.memory_space<vmem>> -> memref<1x8x8x129xf32, #tpu.memory_space<vmem>>
        %parallel_loop3A_446 = tpu.memref_squeeze %parallel_loop3A_445 : memref<1x8x8x129xf32, #tpu.memory_space<vmem>> -> memref<8x8x129xf32, #tpu.memory_space<vmem>>
        tpu.vector_store_idx %parallel_loop3A_446[%select_n3A_62, %select_n3A_178, %parallel_loop3A_422], %parallel_loop3A_441 : memref<8x8x129xf32, #tpu.memory_space<vmem>>[vector<16xi32>, vector<16xi32>, vector<16xi32>], vector<16xf32>,
        %parallel_loop3A_447 = arith.constant 0 : i32
        %parallel_loop3A_448 = arith.constant 0 : i32
        %parallel_loop3A_449 = tpu.memref_slice %arg6[%parallel_loop3A_331, %parallel_loop3A_447, %parallel_loop3A_448] : memref<2x128x64xf32, #tpu.memory_space<vmem>> -> memref<1x128x64xf32, #tpu.memory_space<vmem>>
        %parallel_loop3A_450 = tpu.memref_squeeze %parallel_loop3A_449 : memref<1x128x64xf32, #tpu.memory_space<vmem>> -> memref<128x64xf32, #tpu.memory_space<vmem>>
        %parallel_loop3A_451 = arith.index_cast %parallel_loop3A_421 : i32 to index
        %parallel_loop3A_452 = arith.constant 32 : index
        %parallel_loop3A_453 = tpu.vector_load %parallel_loop3A_450[%parallel_loop3A_451, %parallel_loop3A_452] {strides = array<i32>} : memref<128x64xf32, #tpu.memory_space<vmem>>, vector<16xf32>,
        %parallel_loop3A_454 = arith.constant 0 : i32
        %parallel_loop3A_455 = arith.constant 0 : i32
        %parallel_loop3A_456 = arith.constant 0 : i32
        %parallel_loop3A_457 = tpu.memref_slice %arg7[%parallel_loop3A_332, %parallel_loop3A_454, %parallel_loop3A_455, %parallel_loop3A_456] : memref<2x8x8x129xf32, #tpu.memory_space<vmem>> -> memref<1x8x8x129xf32, #tpu.memory_space<vmem>>
        %parallel_loop3A_458 = tpu.memref_squeeze %parallel_loop3A_457 : memref<1x8x8x129xf32, #tpu.memory_space<vmem>> -> memref<8x8x129xf32, #tpu.memory_space<vmem>>
        tpu.vector_store_idx %parallel_loop3A_458[%select_n3A_96, %select_n3A_203, %parallel_loop3A_422], %parallel_loop3A_453 : memref<8x8x129xf32, #tpu.memory_space<vmem>>[vector<16xi32>, vector<16xi32>, vector<16xi32>], vector<16xf32>,
        %parallel_loop3A_459 = arith.constant 0 : i32
        %parallel_loop3A_460 = arith.constant 0 : i32
        %parallel_loop3A_461 = tpu.memref_slice %arg6[%parallel_loop3A_331, %parallel_loop3A_459, %parallel_loop3A_460] : memref<2x128x64xf32, #tpu.memory_space<vmem>> -> memref<1x128x64xf32, #tpu.memory_space<vmem>>
        %parallel_loop3A_462 = tpu.memref_squeeze %parallel_loop3A_461 : memref<1x128x64xf32, #tpu.memory_space<vmem>> -> memref<128x64xf32, #tpu.memory_space<vmem>>
        %parallel_loop3A_463 = arith.index_cast %parallel_loop3A_421 : i32 to index
        %parallel_loop3A_464 = arith.constant 48 : index
        %parallel_loop3A_465 = tpu.vector_load %parallel_loop3A_462[%parallel_loop3A_463, %parallel_loop3A_464] {strides = array<i32>} : memref<128x64xf32, #tpu.memory_space<vmem>>, vector<16xf32>,
        %parallel_loop3A_466 = arith.constant 0 : i32
        %parallel_loop3A_467 = arith.constant 0 : i32
        %parallel_loop3A_468 = arith.constant 0 : i32
        %parallel_loop3A_469 = tpu.memref_slice %arg7[%parallel_loop3A_332, %parallel_loop3A_466, %parallel_loop3A_467, %parallel_loop3A_468] : memref<2x8x8x129xf32, #tpu.memory_space<vmem>> -> memref<1x8x8x129xf32, #tpu.memory_space<vmem>>
        %parallel_loop3A_470 = tpu.memref_squeeze %parallel_loop3A_469 : memref<1x8x8x129xf32, #tpu.memory_space<vmem>> -> memref<8x8x129xf32, #tpu.memory_space<vmem>>
        tpu.vector_store_idx %parallel_loop3A_470[%select_n3A_130, %select_n3A_228, %parallel_loop3A_422], %parallel_loop3A_465 : memref<8x8x129xf32, #tpu.memory_space<vmem>>[vector<16xi32>, vector<16xi32>, vector<16xi32>], vector<16xf32>,
      } {sc.loop_unroll_factor = 8 : i64, sc.parallel_access}
      %dma_start3A_333 = arith.constant 0 : i32
      %dma_start3A_334 = arith.constant 0 : i32
      %dma_start3A_335 = arith.constant 0 : i32
      %dma_start3A_336 = arith.constant 0 : i32
      %dma_start3A_337 = tpu.memref_slice %arg7[%dma_start3A_333, %dma_start3A_334, %dma_start3A_335, %dma_start3A_336] : memref<2x8x8x129xf32, #tpu.memory_space<vmem>> -> memref<1x8x8x129xf32, #tpu.memory_space<vmem>>
      %dma_start3A_338 = tpu.memref_squeeze %dma_start3A_337 : memref<1x8x8x129xf32, #tpu.memory_space<vmem>> -> memref<8x8x129xf32, #tpu.memory_space<vmem>>
      %dma_start3A_339 = arith.constant 0 : i32
      %dma_start3A_340 = arith.constant 0 : i32
      %dma_start3A_341 = arith.constant 0 : i32
      %dma_start3A_342 = tpu.memref_slice %dma_start3A_338[%dma_start3A_339, %dma_start3A_340, %dma_start3A_341] : memref<8x8x129xf32, #tpu.memory_space<vmem>> -> memref<8x8x128xf32, #tpu.memory_space<vmem>>
      %dma_start3A_343 = arith.constant 0 : i32
      %dma_start3A_344 = arith.constant 0 : i32
      %dma_start3A_345 = arith.constant 0 : i32
      %dma_start3A_346 = tpu.memref_slice %arg4[%add3A_308, %dma_start3A_343, %add3A, %dma_start3A_344, %dma_start3A_345] : memref<200x8x32x8x128xf32, #tpu.memory_space<hbm>> -> memref<1x8x1x8x128xf32, #tpu.memory_space<hbm>>
      %dma_start3A_347 = tpu.memref_squeeze %dma_start3A_346 : memref<1x8x1x8x128xf32, #tpu.memory_space<hbm>> -> memref<8x8x128xf32, #tpu.memory_space<hbm>>
      %dma_start3A_348 = arith.constant 0 : i32
      %dma_start3A_349 = arith.constant 0 : i32
      %dma_start3A_350 = arith.constant 0 : i32
      %dma_start3A_351 = tpu.memref_slice %arg4[%add3A_308, %dma_start3A_348, %add3A, %dma_start3A_349, %dma_start3A_350] : memref<200x8x32x8x128xf32, #tpu.memory_space<hbm>> -> memref<1x8x1x8x128xf32, #tpu.memory_space<hbm>>
      %dma_start3A_352 = tpu.memref_squeeze %dma_start3A_351 : memref<1x8x1x8x128xf32, #tpu.memory_space<hbm>> -> memref<8x8x128xf32, #tpu.memory_space<hbm>>
      %dma_start3A_353 = arith.constant 0 : i32
      %dma_start3A_354 = arith.constant 0 : i32
      %dma_start3A_355 = arith.constant 0 : i32
      %dma_start3A_356 = tpu.memref_slice %arg7[%dma_start3A_333, %dma_start3A_353, %dma_start3A_354, %dma_start3A_355] : memref<2x8x8x129xf32, #tpu.memory_space<vmem>> -> memref<1x8x8x129xf32, #tpu.memory_space<vmem>>
      %dma_start3A_357 = tpu.memref_squeeze %dma_start3A_356 : memref<1x8x8x129xf32, #tpu.memory_space<vmem>> -> memref<8x8x129xf32, #tpu.memory_space<vmem>>
      %dma_start3A_358 = arith.constant 0 : i32
      %dma_start3A_359 = arith.constant 0 : i32
      %dma_start3A_360 = arith.constant 0 : i32
      %dma_start3A_361 = tpu.memref_slice %dma_start3A_357[%dma_start3A_358, %dma_start3A_359, %dma_start3A_360] : memref<8x8x129xf32, #tpu.memory_space<vmem>> -> memref<8x8x128xf32, #tpu.memory_space<vmem>>
      tpu.enqueue_dma source(%dma_start3A_361 : memref<8x8x128xf32, #tpu.memory_space<vmem>>) target(%dma_start3A_352 : memref<8x8x128xf32, #tpu.memory_space<hbm>>) target_semaphore(%arg10 : memref<!tpu.dma_semaphore, #tpu.memory_space<semaphore_mem>>)
      %add3A_362 = arith.constant 1 : i32
      %add3A_363 = arith.addi %mul3A_306, %add3A_362 : i32
      %add3A_364 = arith.constant 1 : i32
      %add3A_365 = arith.addi %add3A_363, %add3A_364 : i32
      %lt3A_366 = arith.constant 200 : i32
      %lt3A_367 = arith.cmpi slt, %add3A_365, %lt3A_366 : i32
      %convert_element_type3A_368 = arith.extui %lt3A_367 : i1 to i32
      %cond3A_369 = arith.constant 0 : i32
      %cond3A_370 = arith.cmpi ne, %convert_element_type3A_368, %cond3A_369 : i32
      scf.if %cond3A_370 {
        %add3A_421 = arith.constant 1 : i32
        %add3A_422 = arith.addi %add3A_363, %add3A_421 : i32
        %dma_start3A_423 = arith.constant 0 : i32
        %dma_start3A_424 = arith.constant 0 : i32
        %dma_start3A_425 = arith.constant 0 : i32
        %dma_start3A_426 = tpu.memref_slice %arg6[%dma_start3A_423, %dma_start3A_424, %dma_start3A_425] : memref<2x128x64xf32, #tpu.memory_space<vmem>> -> memref<1x128x64xf32, #tpu.memory_space<vmem>>
        %dma_start3A_427 = tpu.memref_squeeze %dma_start3A_426 : memref<1x128x64xf32, #tpu.memory_space<vmem>> -> memref<128x64xf32, #tpu.memory_space<vmem>>
        %dma_start3A_428 = arith.constant 0 : i32
        %dma_start3A_429 = tpu.memref_slice %arg5[%add3A_422, %dma_start3A_428] : memref<200x128xi32, #tpu.memory_space<vmem>> -> memref<1x128xi32, #tpu.memory_space<vmem>>
        %dma_start3A_430 = tpu.memref_squeeze %dma_start3A_429 : memref<1x128xi32, #tpu.memory_space<vmem>> -> memref<128xi32, #tpu.memory_space<vmem>>
        %dma_start3A_431 = arith.constant 0 : i32
        %dma_start3A_432 = arith.constant 0 : i32
        %dma_start3A_433 = tpu.memref_slice %arg3[%dma_start3A_431, %dma_start3A_432] : memref<1000000x64xf32, #tpu.memory_space<hbm>> -> memref<1000000x64xf32, #tpu.memory_space<hbm>>
        tpu.enqueue_indirect_dma source(%dma_start3A_433 : memref<1000000x64xf32, #tpu.memory_space<hbm>>) target(%dma_start3A_427 : memref<128x64xf32, #tpu.memory_space<vmem>>) offsets(%dma_start3A_430 : memref<128xi32, #tpu.memory_space<vmem>>) semaphore(%arg8 : memref<!tpu.dma_semaphore, #tpu.memory_space<semaphore_mem>>)
      } else {
      }
      %dma_wait3A_371 = arith.constant 1 : i32
      %dma_wait3A_372 = arith.constant 0 : i32
      %dma_wait3A_373 = arith.constant 0 : i32
      %dma_wait3A_374 = tpu.memref_slice %arg6[%dma_wait3A_371, %dma_wait3A_372, %dma_wait3A_373] : memref<2x128x64xf32, #tpu.memory_space<vmem>> -> memref<1x128x64xf32, #tpu.memory_space<vmem>>
      %dma_wait3A_375 = tpu.memref_squeeze %dma_wait3A_374 : memref<1x128x64xf32, #tpu.memory_space<vmem>> -> memref<128x64xf32, #tpu.memory_space<vmem>>
      %dma_wait3A_376 = arith.constant 0 : i32
      %dma_wait3A_377 = tpu.memref_slice %arg5[%add3A_363, %dma_wait3A_376] : memref<200x128xi32, #tpu.memory_space<vmem>> -> memref<1x128xi32, #tpu.memory_space<vmem>>
      %dma_wait3A_378 = tpu.memref_squeeze %dma_wait3A_377 : memref<1x128xi32, #tpu.memory_space<vmem>> -> memref<128xi32, #tpu.memory_space<vmem>>
      %dma_wait3A_379 = arith.constant 0 : i32
      %dma_wait3A_380 = arith.constant 0 : i32
      %dma_wait3A_381 = tpu.memref_slice %arg3[%dma_wait3A_379, %dma_wait3A_380] : memref<1000000x64xf32, #tpu.memory_space<hbm>> -> memref<1000000x64xf32, #tpu.memory_space<hbm>>
      tpu.wait_indirect_dma semaphore(%arg9 : memref<!tpu.dma_semaphore, #tpu.memory_space<semaphore_mem>>) src(%dma_wait3A_381 : memref<1000000x64xf32, #tpu.memory_space<hbm>>) dst(%dma_wait3A_375 : memref<128x64xf32, #tpu.memory_space<vmem>>)
      %ge3A_382 = arith.constant 2 : i32
      %ge3A_383 = arith.cmpi sge, %add3A_363, %ge3A_382 : i32
      %convert_element_type3A_384 = arith.extui %ge3A_383 : i1 to i32
      %cond3A_385 = arith.constant 0 : i32
      %cond3A_386 = arith.cmpi ne, %convert_element_type3A_384, %cond3A_385 : i32
      scf.if %cond3A_386 {
        %sub3A_421 = arith.constant 2 : i32
        %sub3A_422 = arith.subi %add3A_363, %sub3A_421 : i32
        %dma_wait3A_423 = arith.constant 1 : i32
        %dma_wait3A_424 = arith.constant 0 : i32
        %dma_wait3A_425 = arith.constant 0 : i32
        %dma_wait3A_426 = arith.constant 0 : i32
        %dma_wait3A_427 = tpu.memref_slice %arg7[%dma_wait3A_423, %dma_wait3A_424, %dma_wait3A_425, %dma_wait3A_426] : memref<2x8x8x129xf32, #tpu.memory_space<vmem>> -> memref<1x8x8x129xf32, #tpu.memory_space<vmem>>
        %dma_wait3A_428 = tpu.memref_squeeze %dma_wait3A_427 : memref<1x8x8x129xf32, #tpu.memory_space<vmem>> -> memref<8x8x129xf32, #tpu.memory_space<vmem>>
        %dma_wait3A_429 = arith.constant 0 : i32
        %dma_wait3A_430 = arith.constant 0 : i32
        %dma_wait3A_431 = arith.constant 0 : i32
        %dma_wait3A_432 = tpu.memref_slice %dma_wait3A_428[%dma_wait3A_429, %dma_wait3A_430, %dma_wait3A_431] : memref<8x8x129xf32, #tpu.memory_space<vmem>> -> memref<8x8x128xf32, #tpu.memory_space<vmem>>
        %dma_wait3A_433 = arith.constant 0 : i32
        %dma_wait3A_434 = arith.constant 0 : i32
        %dma_wait3A_435 = arith.constant 0 : i32
        %dma_wait3A_436 = tpu.memref_slice %arg4[%sub3A_422, %dma_wait3A_433, %add3A, %dma_wait3A_434, %dma_wait3A_435] : memref<200x8x32x8x128xf32, #tpu.memory_space<hbm>> -> memref<1x8x1x8x128xf32, #tpu.memory_space<hbm>>
        %dma_wait3A_437 = tpu.memref_squeeze %dma_wait3A_436 : memref<1x8x1x8x128xf32, #tpu.memory_space<hbm>> -> memref<8x8x128xf32, #tpu.memory_space<hbm>>
        %dma_wait3A_438 = arith.constant 0 : i32
        %dma_wait3A_439 = arith.constant 0 : i32
        %dma_wait3A_440 = arith.constant 0 : i32
        %dma_wait3A_441 = tpu.memref_slice %arg4[%sub3A_422, %dma_wait3A_438, %add3A, %dma_wait3A_439, %dma_wait3A_440] : memref<200x8x32x8x128xf32, #tpu.memory_space<hbm>> -> memref<1x8x1x8x128xf32, #tpu.memory_space<hbm>>
        %dma_wait3A_442 = tpu.memref_squeeze %dma_wait3A_441 : memref<1x8x1x8x128xf32, #tpu.memory_space<hbm>> -> memref<8x8x128xf32, #tpu.memory_space<hbm>>
        %dma_wait3A_443 = arith.constant 0 : i32
        %dma_wait3A_444 = arith.constant 0 : i32
        %dma_wait3A_445 = arith.constant 0 : i32
        %dma_wait3A_446 = tpu.memref_slice %arg7[%dma_wait3A_423, %dma_wait3A_443, %dma_wait3A_444, %dma_wait3A_445] : memref<2x8x8x129xf32, #tpu.memory_space<vmem>> -> memref<1x8x8x129xf32, #tpu.memory_space<vmem>>
        %dma_wait3A_447 = tpu.memref_squeeze %dma_wait3A_446 : memref<1x8x8x129xf32, #tpu.memory_space<vmem>> -> memref<8x8x129xf32, #tpu.memory_space<vmem>>
        %dma_wait3A_448 = arith.constant 0 : i32
        %dma_wait3A_449 = arith.constant 0 : i32
        %dma_wait3A_450 = arith.constant 0 : i32
        %dma_wait3A_451 = tpu.memref_slice %dma_wait3A_447[%dma_wait3A_448, %dma_wait3A_449, %dma_wait3A_450] : memref<8x8x129xf32, #tpu.memory_space<vmem>> -> memref<8x8x128xf32, #tpu.memory_space<vmem>>
        tpu.wait_dma2 semaphore(%arg11 : memref<!tpu.dma_semaphore, #tpu.memory_space<semaphore_mem>>) src(%dma_wait3A_451 : memref<8x8x128xf32, #tpu.memory_space<vmem>>) dst(%dma_wait3A_442 : memref<8x8x128xf32, #tpu.memory_space<hbm>>)
      } else {
      }
      %parallel_loop3A_387 = arith.constant 0 : i32
      %parallel_loop3A_388 = arith.constant 128 : i32
      %parallel_loop3A_389 = arith.constant 1 : i32
      %parallel_loop3A_390 = arith.constant 1 : i32
      %parallel_loop3A_391 = arith.constant 1 : i32
      scf.for %parallel_loop3A_421 = %parallel_loop3A_387 to %parallel_loop3A_388 step %parallel_loop3A_389  : i32 {
        %parallel_loop3A_422 = vector.broadcast %parallel_loop3A_421 : i32 to vector<16xi32>
        %parallel_loop3A_423 = arith.constant 0 : i32
        %parallel_loop3A_424 = arith.constant 0 : i32
        %parallel_loop3A_425 = tpu.memref_slice %arg6[%parallel_loop3A_390, %parallel_loop3A_423, %parallel_loop3A_424] : memref<2x128x64xf32, #tpu.memory_space<vmem>> -> memref<1x128x64xf32, #tpu.memory_space<vmem>>
        %parallel_loop3A_426 = tpu.memref_squeeze %parallel_loop3A_425 : memref<1x128x64xf32, #tpu.memory_space<vmem>> -> memref<128x64xf32, #tpu.memory_space<vmem>>
        %parallel_loop3A_427 = arith.index_cast %parallel_loop3A_421 : i32 to index
        %parallel_loop3A_428 = arith.constant 0 : index
        %parallel_loop3A_429 = tpu.vector_load %parallel_loop3A_426[%parallel_loop3A_427, %parallel_loop3A_428] {strides = array<i32>} : memref<128x64xf32, #tpu.memory_space<vmem>>, vector<16xf32>,
        %parallel_loop3A_430 = arith.constant 0 : i32
        %parallel_loop3A_431 = arith.constant 0 : i32
        %parallel_loop3A_432 = arith.constant 0 : i32
        %parallel_loop3A_433 = tpu.memref_slice %arg7[%parallel_loop3A_391, %parallel_loop3A_430, %parallel_loop3A_431, %parallel_loop3A_432] : memref<2x8x8x129xf32, #tpu.memory_space<vmem>> -> memref<1x8x8x129xf32, #tpu.memory_space<vmem>>
        %parallel_loop3A_434 = tpu.memref_squeeze %parallel_loop3A_433 : memref<1x8x8x129xf32, #tpu.memory_space<vmem>> -> memref<8x8x129xf32, #tpu.memory_space<vmem>>
        tpu.vector_store_idx %parallel_loop3A_434[%select_n3A, %select_n3A_153, %parallel_loop3A_422], %parallel_loop3A_429 : memref<8x8x129xf32, #tpu.memory_space<vmem>>[vector<16xi32>, vector<16xi32>, vector<16xi32>], vector<16xf32>,
        %parallel_loop3A_435 = arith.constant 0 : i32
        %parallel_loop3A_436 = arith.constant 0 : i32
        %parallel_loop3A_437 = tpu.memref_slice %arg6[%parallel_loop3A_390, %parallel_loop3A_435, %parallel_loop3A_436] : memref<2x128x64xf32, #tpu.memory_space<vmem>> -> memref<1x128x64xf32, #tpu.memory_space<vmem>>
        %parallel_loop3A_438 = tpu.memref_squeeze %parallel_loop3A_437 : memref<1x128x64xf32, #tpu.memory_space<vmem>> -> memref<128x64xf32, #tpu.memory_space<vmem>>
        %parallel_loop3A_439 = arith.index_cast %parallel_loop3A_421 : i32 to index
        %parallel_loop3A_440 = arith.constant 16 : index
        %parallel_loop3A_441 = tpu.vector_load %parallel_loop3A_438[%parallel_loop3A_439, %parallel_loop3A_440] {strides = array<i32>} : memref<128x64xf32, #tpu.memory_space<vmem>>, vector<16xf32>,
        %parallel_loop3A_442 = arith.constant 0 : i32
        %parallel_loop3A_443 = arith.constant 0 : i32
        %parallel_loop3A_444 = arith.constant 0 : i32
        %parallel_loop3A_445 = tpu.memref_slice %arg7[%parallel_loop3A_391, %parallel_loop3A_442, %parallel_loop3A_443, %parallel_loop3A_444] : memref<2x8x8x129xf32, #tpu.memory_space<vmem>> -> memref<1x8x8x129xf32, #tpu.memory_space<vmem>>
        %parallel_loop3A_446 = tpu.memref_squeeze %parallel_loop3A_445 : memref<1x8x8x129xf32, #tpu.memory_space<vmem>> -> memref<8x8x129xf32, #tpu.memory_space<vmem>>
        tpu.vector_store_idx %parallel_loop3A_446[%select_n3A_62, %select_n3A_178, %parallel_loop3A_422], %parallel_loop3A_441 : memref<8x8x129xf32, #tpu.memory_space<vmem>>[vector<16xi32>, vector<16xi32>, vector<16xi32>], vector<16xf32>,
        %parallel_loop3A_447 = arith.constant 0 : i32
        %parallel_loop3A_448 = arith.constant 0 : i32
        %parallel_loop3A_449 = tpu.memref_slice %arg6[%parallel_loop3A_390, %parallel_loop3A_447, %parallel_loop3A_448] : memref<2x128x64xf32, #tpu.memory_space<vmem>> -> memref<1x128x64xf32, #tpu.memory_space<vmem>>
        %parallel_loop3A_450 = tpu.memref_squeeze %parallel_loop3A_449 : memref<1x128x64xf32, #tpu.memory_space<vmem>> -> memref<128x64xf32, #tpu.memory_space<vmem>>
        %parallel_loop3A_451 = arith.index_cast %parallel_loop3A_421 : i32 to index
        %parallel_loop3A_452 = arith.constant 32 : index
        %parallel_loop3A_453 = tpu.vector_load %parallel_loop3A_450[%parallel_loop3A_451, %parallel_loop3A_452] {strides = array<i32>} : memref<128x64xf32, #tpu.memory_space<vmem>>, vector<16xf32>,
        %parallel_loop3A_454 = arith.constant 0 : i32
        %parallel_loop3A_455 = arith.constant 0 : i32
        %parallel_loop3A_456 = arith.constant 0 : i32
        %parallel_loop3A_457 = tpu.memref_slice %arg7[%parallel_loop3A_391, %parallel_loop3A_454, %parallel_loop3A_455, %parallel_loop3A_456] : memref<2x8x8x129xf32, #tpu.memory_space<vmem>> -> memref<1x8x8x129xf32, #tpu.memory_space<vmem>>
        %parallel_loop3A_458 = tpu.memref_squeeze %parallel_loop3A_457 : memref<1x8x8x129xf32, #tpu.memory_space<vmem>> -> memref<8x8x129xf32, #tpu.memory_space<vmem>>
        tpu.vector_store_idx %parallel_loop3A_458[%select_n3A_96, %select_n3A_203, %parallel_loop3A_422], %parallel_loop3A_453 : memref<8x8x129xf32, #tpu.memory_space<vmem>>[vector<16xi32>, vector<16xi32>, vector<16xi32>], vector<16xf32>,
        %parallel_loop3A_459 = arith.constant 0 : i32
        %parallel_loop3A_460 = arith.constant 0 : i32
        %parallel_loop3A_461 = tpu.memref_slice %arg6[%parallel_loop3A_390, %parallel_loop3A_459, %parallel_loop3A_460] : memref<2x128x64xf32, #tpu.memory_space<vmem>> -> memref<1x128x64xf32, #tpu.memory_space<vmem>>
        %parallel_loop3A_462 = tpu.memref_squeeze %parallel_loop3A_461 : memref<1x128x64xf32, #tpu.memory_space<vmem>> -> memref<128x64xf32, #tpu.memory_space<vmem>>
        %parallel_loop3A_463 = arith.index_cast %parallel_loop3A_421 : i32 to index
        %parallel_loop3A_464 = arith.constant 48 : index
        %parallel_loop3A_465 = tpu.vector_load %parallel_loop3A_462[%parallel_loop3A_463, %parallel_loop3A_464] {strides = array<i32>} : memref<128x64xf32, #tpu.memory_space<vmem>>, vector<16xf32>,
        %parallel_loop3A_466 = arith.constant 0 : i32
        %parallel_loop3A_467 = arith.constant 0 : i32
        %parallel_loop3A_468 = arith.constant 0 : i32
        %parallel_loop3A_469 = tpu.memref_slice %arg7[%parallel_loop3A_391, %parallel_loop3A_466, %parallel_loop3A_467, %parallel_loop3A_468] : memref<2x8x8x129xf32, #tpu.memory_space<vmem>> -> memref<1x8x8x129xf32, #tpu.memory_space<vmem>>
        %parallel_loop3A_470 = tpu.memref_squeeze %parallel_loop3A_469 : memref<1x8x8x129xf32, #tpu.memory_space<vmem>> -> memref<8x8x129xf32, #tpu.memory_space<vmem>>
        tpu.vector_store_idx %parallel_loop3A_470[%select_n3A_130, %select_n3A_228, %parallel_loop3A_422], %parallel_loop3A_465 : memref<8x8x129xf32, #tpu.memory_space<vmem>>[vector<16xi32>, vector<16xi32>, vector<16xi32>], vector<16xf32>,
      } {sc.loop_unroll_factor = 8 : i64, sc.parallel_access}
      %dma_start3A_392 = arith.constant 1 : i32
      %dma_start3A_393 = arith.constant 0 : i32
      %dma_start3A_394 = arith.constant 0 : i32
      %dma_start3A_395 = arith.constant 0 : i32
      %dma_start3A_396 = tpu.memref_slice %arg7[%dma_start3A_392, %dma_start3A_393, %dma_start3A_394, %dma_start3A_395] : memref<2x8x8x129xf32, #tpu.memory_space<vmem>> -> memref<1x8x8x129xf32, #tpu.memory_space<vmem>>
      %dma_start3A_397 = tpu.memref_squeeze %dma_start3A_396 : memref<1x8x8x129xf32, #tpu.memory_space<vmem>> -> memref<8x8x129xf32, #tpu.memory_space<vmem>>
      %dma_start3A_398 = arith.constant 0 : i32
      %dma_start3A_399 = arith.constant 0 : i32
      %dma_start3A_400 = arith.constant 0 : i32
      %dma_start3A_401 = tpu.memref_slice %dma_start3A_397[%dma_start3A_398, %dma_start3A_399, %dma_start3A_400] : memref<8x8x129xf32, #tpu.memory_space<vmem>> -> memref<8x8x128xf32, #tpu.memory_space<vmem>>
      %dma_start3A_402 = arith.constant 0 : i32
      %dma_start3A_403 = arith.constant 0 : i32
      %dma_start3A_404 = arith.constant 0 : i32
      %dma_start3A_405 = tpu.memref_slice %arg4[%add3A_363, %dma_start3A_402, %add3A, %dma_start3A_403, %dma_start3A_404] : memref<200x8x32x8x128xf32, #tpu.memory_space<hbm>> -> memref<1x8x1x8x128xf32, #tpu.memory_space<hbm>>
      %dma_start3A_406 = tpu.memref_squeeze %dma_start3A_405 : memref<1x8x1x8x128xf32, #tpu.memory_space<hbm>> -> memref<8x8x128xf32, #tpu.memory_space<hbm>>
      %dma_start3A_407 = arith.constant 0 : i32
      %dma_start3A_408 = arith.constant 0 : i32
      %dma_start3A_409 = arith.constant 0 : i32
      %dma_start3A_410 = tpu.memref_slice %arg4[%add3A_363, %dma_start3A_407, %add3A, %dma_start3A_408, %dma_start3A_409] : memref<200x8x32x8x128xf32, #tpu.memory_space<hbm>> -> memref<1x8x1x8x128xf32, #tpu.memory_space<hbm>>
      %dma_start3A_411 = tpu.memref_squeeze %dma_start3A_410 : memref<1x8x1x8x128xf32, #tpu.memory_space<hbm>> -> memref<8x8x128xf32, #tpu.memory_space<hbm>>
      %dma_start3A_412 = arith.constant 0 : i32
      %dma_start3A_413 = arith.constant 0 : i32
      %dma_start3A_414 = arith.constant 0 : i32
      %dma_start3A_415 = tpu.memref_slice %arg7[%dma_start3A_392, %dma_start3A_412, %dma_start3A_413, %dma_start3A_414] : memref<2x8x8x129xf32, #tpu.memory_space<vmem>> -> memref<1x8x8x129xf32, #tpu.memory_space<vmem>>
      %dma_start3A_416 = tpu.memref_squeeze %dma_start3A_415 : memref<1x8x8x129xf32, #tpu.memory_space<vmem>> -> memref<8x8x129xf32, #tpu.memory_space<vmem>>
      %dma_start3A_417 = arith.constant 0 : i32
      %dma_start3A_418 = arith.constant 0 : i32
      %dma_start3A_419 = arith.constant 0 : i32
      %dma_start3A_420 = tpu.memref_slice %dma_start3A_416[%dma_start3A_417, %dma_start3A_418, %dma_start3A_419] : memref<8x8x129xf32, #tpu.memory_space<vmem>> -> memref<8x8x128xf32, #tpu.memory_space<vmem>>
      tpu.enqueue_dma source(%dma_start3A_420 : memref<8x8x128xf32, #tpu.memory_space<vmem>>) target(%dma_start3A_411 : memref<8x8x128xf32, #tpu.memory_space<hbm>>) target_semaphore(%arg11 : memref<!tpu.dma_semaphore, #tpu.memory_space<semaphore_mem>>)
    }
    %scan3A_244 = arith.constant 100 : i32
    %dma_wait3A = arith.constant 0 : i32
    %dma_wait3A_245 = arith.constant 198 : i32
    %dma_wait3A_246 = arith.constant 0 : i32
    %dma_wait3A_247 = arith.constant 0 : i32
    %dma_wait3A_248 = arith.constant 0 : i32
    %dma_wait3A_249 = tpu.memref_slice %arg7[%dma_wait3A, %dma_wait3A_246, %dma_wait3A_247, %dma_wait3A_248] : memref<2x8x8x129xf32, #tpu.memory_space<vmem>> -> memref<1x8x8x129xf32, #tpu.memory_space<vmem>>
    %dma_wait3A_250 = tpu.memref_squeeze %dma_wait3A_249 : memref<1x8x8x129xf32, #tpu.memory_space<vmem>> -> memref<8x8x129xf32, #tpu.memory_space<vmem>>
    %dma_wait3A_251 = arith.constant 0 : i32
    %dma_wait3A_252 = arith.constant 0 : i32
    %dma_wait3A_253 = arith.constant 0 : i32
    %dma_wait3A_254 = tpu.memref_slice %dma_wait3A_250[%dma_wait3A_251, %dma_wait3A_252, %dma_wait3A_253] : memref<8x8x129xf32, #tpu.memory_space<vmem>> -> memref<8x8x128xf32, #tpu.memory_space<vmem>>
    %dma_wait3A_255 = arith.constant 0 : i32
    %dma_wait3A_256 = arith.constant 0 : i32
    %dma_wait3A_257 = arith.constant 0 : i32
    %dma_wait3A_258 = tpu.memref_slice %arg4[%dma_wait3A_245, %dma_wait3A_255, %add3A, %dma_wait3A_256, %dma_wait3A_257] : memref<200x8x32x8x128xf32, #tpu.memory_space<hbm>> -> memref<1x8x1x8x128xf32, #tpu.memory_space<hbm>>
    %dma_wait3A_259 = tpu.memref_squeeze %dma_wait3A_258 : memref<1x8x1x8x128xf32, #tpu.memory_space<hbm>> -> memref<8x8x128xf32, #tpu.memory_space<hbm>>
    %dma_wait3A_260 = arith.constant 0 : i32
    %dma_wait3A_261 = arith.constant 0 : i32
    %dma_wait3A_262 = arith.constant 0 : i32
    %dma_wait3A_263 = tpu.memref_slice %arg4[%dma_wait3A_245, %dma_wait3A_260, %add3A, %dma_wait3A_261, %dma_wait3A_262] : memref<200x8x32x8x128xf32, #tpu.memory_space<hbm>> -> memref<1x8x1x8x128xf32, #tpu.memory_space<hbm>>
    %dma_wait3A_264 = tpu.memref_squeeze %dma_wait3A_263 : memref<1x8x1x8x128xf32, #tpu.memory_space<hbm>> -> memref<8x8x128xf32, #tpu.memory_space<hbm>>
    %dma_wait3A_265 = arith.constant 0 : i32
    %dma_wait3A_266 = arith.constant 0 : i32
    %dma_wait3A_267 = arith.constant 0 : i32
    %dma_wait3A_268 = tpu.memref_slice %arg7[%dma_wait3A, %dma_wait3A_265, %dma_wait3A_266, %dma_wait3A_267] : memref<2x8x8x129xf32, #tpu.memory_space<vmem>> -> memref<1x8x8x129xf32, #tpu.memory_space<vmem>>
    %dma_wait3A_269 = tpu.memref_squeeze %dma_wait3A_268 : memref<1x8x8x129xf32, #tpu.memory_space<vmem>> -> memref<8x8x129xf32, #tpu.memory_space<vmem>>
    %dma_wait3A_270 = arith.constant 0 : i32
    %dma_wait3A_271 = arith.constant 0 : i32
    %dma_wait3A_272 = arith.constant 0 : i32
    %dma_wait3A_273 = tpu.memref_slice %dma_wait3A_269[%dma_wait3A_270, %dma_wait3A_271, %dma_wait3A_272] : memref<8x8x129xf32, #tpu.memory_space<vmem>> -> memref<8x8x128xf32, #tpu.memory_space<vmem>>
    tpu.wait_dma2 semaphore(%arg10 : memref<!tpu.dma_semaphore, #tpu.memory_space<semaphore_mem>>) src(%dma_wait3A_273 : memref<8x8x128xf32, #tpu.memory_space<vmem>>) dst(%dma_wait3A_264 : memref<8x8x128xf32, #tpu.memory_space<hbm>>)
    %dma_wait3A_274 = arith.constant 1 : i32
    %dma_wait3A_275 = arith.constant 199 : i32
    %dma_wait3A_276 = arith.constant 0 : i32
    %dma_wait3A_277 = arith.constant 0 : i32
    %dma_wait3A_278 = arith.constant 0 : i32
    %dma_wait3A_279 = tpu.memref_slice %arg7[%dma_wait3A_274, %dma_wait3A_276, %dma_wait3A_277, %dma_wait3A_278] : memref<2x8x8x129xf32, #tpu.memory_space<vmem>> -> memref<1x8x8x129xf32, #tpu.memory_space<vmem>>
    %dma_wait3A_280 = tpu.memref_squeeze %dma_wait3A_279 : memref<1x8x8x129xf32, #tpu.memory_space<vmem>> -> memref<8x8x129xf32, #tpu.memory_space<vmem>>
    %dma_wait3A_281 = arith.constant 0 : i32
    %dma_wait3A_282 = arith.constant 0 : i32
    %dma_wait3A_283 = arith.constant 0 : i32
    %dma_wait3A_284 = tpu.memref_slice %dma_wait3A_280[%dma_wait3A_281, %dma_wait3A_282, %dma_wait3A_283] : memref<8x8x129xf32, #tpu.memory_space<vmem>> -> memref<8x8x128xf32, #tpu.memory_space<vmem>>
    %dma_wait3A_285 = arith.constant 0 : i32
    %dma_wait3A_286 = arith.constant 0 : i32
    %dma_wait3A_287 = arith.constant 0 : i32
    %dma_wait3A_288 = tpu.memref_slice %arg4[%dma_wait3A_275, %dma_wait3A_285, %add3A, %dma_wait3A_286, %dma_wait3A_287] : memref<200x8x32x8x128xf32, #tpu.memory_space<hbm>> -> memref<1x8x1x8x128xf32, #tpu.memory_space<hbm>>
    %dma_wait3A_289 = tpu.memref_squeeze %dma_wait3A_288 : memref<1x8x1x8x128xf32, #tpu.memory_space<hbm>> -> memref<8x8x128xf32, #tpu.memory_space<hbm>>
    %dma_wait3A_290 = arith.constant 0 : i32
    %dma_wait3A_291 = arith.constant 0 : i32
    %dma_wait3A_292 = arith.constant 0 : i32
    %dma_wait3A_293 = tpu.memref_slice %arg4[%dma_wait3A_275, %dma_wait3A_290, %add3A, %dma_wait3A_291, %dma_wait3A_292] : memref<200x8x32x8x128xf32, #tpu.memory_space<hbm>> -> memref<1x8x1x8x128xf32, #tpu.memory_space<hbm>>
    %dma_wait3A_294 = tpu.memref_squeeze %dma_wait3A_293 : memref<1x8x1x8x128xf32, #tpu.memory_space<hbm>> -> memref<8x8x128xf32, #tpu.memory_space<hbm>>
    %dma_wait3A_295 = arith.constant 0 : i32
    %dma_wait3A_296 = arith.constant 0 : i32
    %dma_wait3A_297 = arith.constant 0 : i32
    %dma_wait3A_298 = tpu.memref_slice %arg7[%dma_wait3A_274, %dma_wait3A_295, %dma_wait3A_296, %dma_wait3A_297] : memref<2x8x8x129xf32, #tpu.memory_space<vmem>> -> memref<1x8x8x129xf32, #tpu.memory_space<vmem>>
    %dma_wait3A_299 = tpu.memref_squeeze %dma_wait3A_298 : memref<1x8x8x129xf32, #tpu.memory_space<vmem>> -> memref<8x8x129xf32, #tpu.memory_space<vmem>>
    %dma_wait3A_300 = arith.constant 0 : i32
    %dma_wait3A_301 = arith.constant 0 : i32
    %dma_wait3A_302 = arith.constant 0 : i32
    %dma_wait3A_303 = tpu.memref_slice %dma_wait3A_299[%dma_wait3A_300, %dma_wait3A_301, %dma_wait3A_302] : memref<8x8x129xf32, #tpu.memory_space<vmem>> -> memref<8x8x128xf32, #tpu.memory_space<vmem>>
    tpu.wait_dma2 semaphore(%arg11 : memref<!tpu.dma_semaphore, #tpu.memory_space<semaphore_mem>>) src(%dma_wait3A_303 : memref<8x8x128xf32, #tpu.memory_space<vmem>>) dst(%dma_wait3A_294 : memref<8x8x128xf32, #tpu.memory_space<hbm>>)
    return
  }
}

</mosaic_0001>

<sc_bundles>
// kernel: kernel.3.cloned.1.call-start
scs
__scs_entry_jumppad:
0x0: {  	(pc) =	sbr.rel $0x88, $3  }
0x1: {  	(tag) =	ssettag $0x0;
	lr =	simm.s32 $0x1  }
0x2: {  	[smem:$0x3F9F] =	sst lr;
	_ =	strace $0xD0000000  }
0x3: {  	_ = 	snop  }
0x4: {  	_ = 	snop  }
0x5: {  	_ = 	snop  }
0x6: {  	_ = 	snop  }
0x7: {  	_ = 	snop  }
__scs_overlays_trampoline_lowered:
0x8: {  	[smem:$0x3FAE] =	sst s0  }
0x9: {  	[smem:$0x3FAF] =	sst s1  }
0xa: {  	[smem:$0x3FB0] =	sst s2  }
0xb: {  	[smem:$0x3FB1] =	sst s3  }
0xc: {  	[smem:$0x3FB2] =	sst s4  }
0xd: {  	[smem:$0x3FB3] =	sst s5  }
0xe: {  	[smem:$0x3FB4] =	sst s6  }
0xf: {  	[smem:$0x3FB5] =	sst s7  }
0x10: {  	[smem:$0x3FB6] =	sst s8  }
0x11: {  	[smem:$0x3FB7] =	sst s9;
	s0 =	simm.s32 @!p0 $0x0  }
0x12: {  	s1 =	sld [smem:$0x3F9D];
	s0 =	simm.s32 @p0 $0x1  }
0x13: {  	[smem:$0x3FB8] =	sst s0;
	s0 =	simm.s32 @!p1 $0x0  }
0x14: {  	s2 =	sld [smem:$0x3F9C];
	s0 =	simm.s32 @p1 $0x1  }
0x15: {  	[smem:$0x3FB9] =	sst s0;
	s0 =	simm.s32 @!p2 $0x0  }
0x16: {  	s3 =	sld [smem:$0x3FDB];
	s0 =	simm.s32 @p2 $0x1  }
0x17: {  	s4 =	simm.s32 $0x1BF5;
	[smem:$0x3FBB] =	sst s0  }
0x18: {  	s0 =	sld [smem:$0x3F9E];
	_ =	swait.ge [sflag:s4], $0x0  }
0x19: {  	s7 =	sld [smem:$0x3F9F]  }
0x1a: {  	s8 =	sadd.s32 $0xFFFFE003, lr  }
0x1b: {  	s9 =	sadd.s32 $0xFFFFFEF7, lr;
	s5 =	simm.s32 $0xFFFFFFFF;
	p2 =	slt.u32 s8, $0xFFFFF086  }
0x1c: {  	p1 =	slt.u32 s9, $0xF7A;
	s5 =	simm.s32 @!p2 $0x0  }
0x1d: {  	s5 =	simm.s32 @p1 $0x1;
	p0 =	seq.s32 s7, s2  }
0x1e: {  	s7 =	smul.u32 @!p0 $0xF7A, s2;
	p2 =	seq.s32 @!p0 s5, $0x0  }
0x1f: {  	s9 =	smul.u32 $0xF7A, s1;
	s8 =	simm.s32 @!p0 $0x1BF5;
	p2 =	por !p2, p0  }
0x20: {  	[sflag:s8] =	ssyncset.s32 @!p0 $0xFFFFF086;
	s6 =	sadd.s32 @!p0 s3, s7;
	s7 =	simm.s32 @!p0 $0x108  }
0x21: {  	s3 =	sadd.s32 s3, s9;
	s6 =	sadd.s32 @!p0 $0x88, s6;
	s7 =	simm.s32 @p2 $0x1082  }
0x22: {  	[simem:s7], [sflag:s8] =	dma.local @!p0 [hbm:s6], $0xF7A  }
0x23: {  	s9 =	sor.u32 $0xD0000000, s2;
	s6 =	simm.s32 $0x108;
	_ =	swait.ge @!p0 [sflag:s8], $0x0  }
0x24: {  	s3 =	sadd.s32 $0x88, s3;
	s6 =	simm.s32 @!p1 $0x1082;
	[sflag:s4] =	ssyncset.s32 $0xFFFFF086  }
0x25: {  	[simem:s6], [sflag:s4] =	dma.local [hbm:s3], $0xF7A  }
0x26: {  	[smem:$0x3F9F] =	sst s1;
	(tag) =	ssettag s2;
	_ =	strace s9  }
0x27: {  	s1 =	sld [smem:$0x3FAF]  }
0x28: {  	s2 =	sld [smem:$0x3FB0]  }
0x29: {  	s4 =	sld [smem:$0x3FB2]  }
0x2a: {  	p0 =	seq.s32 s5, $0x0;
	s5 =	sld [smem:$0x3FB3]  }
0x2b: {  	s6 =	sld [smem:$0x3FB4]  }
0x2c: {  	s7 =	sld [smem:$0x3FB5]  }
0x2d: {  	s3 =	simm.s32 $0x108;
	s8 =	sld [smem:$0x3FB6]  }
0x2e: {  	s3 =	simm.s32 @!p0 $0x1082;
	s9 =	sld [smem:$0x3FB7]  }
0x2f: {  	lr =	sadd.s32 s0, s3;
	s0 =	sld [smem:$0x3FAE]  }
0x30: {  	s3 =	sld [smem:$0x3FB1]  }
0x31: {  	[smem:$0x3FBA] =	sst s10  }
0x32: {  	s10 =	sld [smem:$0x3FB8];
	_ =	sdelay $0x3  }
0x33: {  	p0 =	seq.s32 s10, $0x1;
	s10 =	sld [smem:$0x3FBA];
	_ =	sdelay $0x3  }
0x34: {  	[smem:$0x3FBA] =	sst s10  }
0x35: {  	s10 =	sld [smem:$0x3FB9];
	_ =	sdelay $0x3  }
0x36: {  	p1 =	seq.s32 s10, $0x1;
	s10 =	sld [smem:$0x3FBA];
	_ =	sdelay $0x3  }
0x37: {  	[smem:$0x3FBA] =	sst s10  }
0x38: {  	s10 =	sld [smem:$0x3FBB]  }
0x39: {  	_ = 	snop;
	(pc) =	sbr.ind lr, $3  }
0x3a: {  	_ = 	snop  }
0x3b: {  	_ = 	snop  }
0x3c: {  	p2 =	seq.s32 s10, $0x1;
	s10 =	sld [smem:$0x3FBA]  }
0x3d: {  	_ =	shalt  }
0x3e: {  	_ =	shalt  }
0x3f: {  	_ =	shalt  }
0x40: {  	_ =	shalt  }
0x41: {  	_ =	shalt  }
0x42: {  	_ =	shalt  }
0x43: {  	_ =	shalt  }
0x44: {  	_ =	shalt  }
0x45: {  	_ =	shalt  }
0x46: {  	_ =	shalt  }
0x47: {  	_ =	shalt  }
0x48: {  	_ =	shalt  }
0x49: {  	_ =	shalt  }
0x4a: {  	_ =	shalt  }
0x4b: {  	_ =	shalt  }
0x4c: {  	_ =	shalt  }
0x4d: {  	_ =	shalt  }
0x4e: {  	_ =	shalt  }
0x4f: {  	_ =	shalt  }
0x50: {  	_ =	shalt  }
0x51: {  	_ =	shalt  }
0x52: {  	_ =	shalt  }
0x53: {  	_ =	shalt  }
0x54: {  	_ =	shalt  }
0x55: {  	_ =	shalt  }
0x56: {  	_ =	shalt  }
0x57: {  	_ =	shalt  }
0x58: {  	_ =	shalt  }
0x59: {  	_ =	shalt  }
0x5a: {  	_ =	shalt  }
0x5b: {  	_ =	shalt  }
0x5c: {  	_ =	shalt  }
0x5d: {  	_ =	shalt  }
0x5e: {  	_ =	shalt  }
0x5f: {  	_ =	shalt  }
0x60: {  	_ =	shalt  }
0x61: {  	_ =	shalt  }
0x62: {  	_ =	shalt  }
0x63: {  	_ =	shalt  }
0x64: {  	_ =	shalt  }
0x65: {  	_ =	shalt  }
0x66: {  	_ =	shalt  }
0x67: {  	_ =	shalt  }
0x68: {  	_ =	shalt  }
0x69: {  	_ =	shalt  }
0x6a: {  	_ =	shalt  }
0x6b: {  	_ =	shalt  }
0x6c: {  	_ =	shalt  }
0x6d: {  	_ =	shalt  }
0x6e: {  	_ =	shalt  }
0x6f: {  	_ =	shalt  }
0x70: {  	_ =	shalt  }
0x71: {  	_ =	shalt  }
0x72: {  	_ =	shalt  }
0x73: {  	_ =	shalt  }
0x74: {  	_ =	shalt  }
0x75: {  	_ =	shalt  }
0x76: {  	_ =	shalt  }
0x77: {  	_ =	shalt  }
0x78: {  	_ =	shalt  }
0x79: {  	_ =	shalt  }
0x7a: {  	_ =	shalt  }
0x7b: {  	_ =	shalt  }
0x7c: {  	_ =	shalt  }
0x7d: {  	_ =	shalt  }
0x7e: {  	_ =	shalt  }
0x7f: {  	_ =	shalt  }
0x80: {  	_ =	shalt  }
0x81: {  	_ =	shalt  }
0x82: {  	_ =	shalt  }
0x83: {  	_ =	shalt  }
0x84: {  	_ =	shalt  }
0x85: {  	_ =	shalt  }
0x86: {  	_ =	shalt  }
0x87: {  	_ =	shalt  }
.Lfunc_end0:
.L_simem_size_0:
called_computation_lowered:
.L_overlay_start_0:
0x88: {  	s2 =	sld [smem:$0x3FD9]  }
0x89: {  	s3 =	sld [smem:$0x3FFE];
	_ =	sdelay $0x1  }
0x8a: {  	s1 =	srdreg.scid  }
0x8b: {  	s0 =	sand.u32 $0x1, s1  }
0x8c: {  	s17 =	sshll.u32 s0, $0xA;
	s2 =	sadd.s32 s3, s2  }
0x8d: {  	s2 =	sadd.s32 s2, s17  }
0x8e: {  	[smem:$0x3FC6] =	sst s2  }
0x8f: {  	_ = 	snop  }
0x90: {  	s2 =	sld [smem:$0x3FD0];
	(tm) =	ssettm $0x1  }
0x91: {  	s18 =	sld [smem:$0x3FFB];
	_ =	sdelay $0x3  }
0x92: {  	_ =	strace s18  }
0x93: {  	s3 =	sld [smem:$0x3FFC];
	_ =	sdelay $0x3  }
0x94: {  	_ =	strace s3  }
0x95: {  	s3 =	sld [smem:$0x3FFD];
	_ =	sdelay $0x3  }
0x96: {  	_ =	strace s3  }
0x97: {  	_ =	strace $0x8FFFFFFF  }
0x98: {  	s19 =	sld [smem:$0x3FDB];
	_ =	sdelay $0x1  }
0x99: {  	s4 =	simm.s32 $_scs_section_size  }
0x9a: {  	s5 =	simm.s32 $_size__tile_overlayer_lowered;
	s6 =	simm.s32 $_tile_overlayer_lowered  }
0x9b: {  	s22 =	simm.s32 $0x1BFF;
	s21 =	sshll.u32 s6, $0x1;
	s3 =	sadd.s32 s4, s19  }
0x9c: {  	s7 =	simm.s32 $0x0;
	s20 =	sshll.u32 s5, $0x1;
	s5 =	sadd.s32 s21, s3  }
0x9d: {  	[timem:s7], [sflag:s22] =	dma.local [hbm:s5], s20  }
0x9e: {  	_ =	swait.ge [sflag:s22], s20  }
0x9f: {  	s4 =	ssub.s32 $0x0, s20;
	[sflag:s22] =	ssyncset.done $0x0  }
0xa0: {  	[sflag:s22] =	ssyncadd.s32 s4;
	_ =	sdelay $0x1  }
0xa1: {  	s23 =	simm.s32 $0x1B8B  }
0xa2: {  	_ =	swait.ge [sflag:s23], $0x1  }
0xa3: {  	[sflag:s23] =	ssyncset.done $0x0  }
0xa4: {  	s25 =	simm.s32 $0x1B8E;
	s24 =	sld [smem:$0x3FFE];
	[sflag:s23] =	ssyncadd.s32 $0xFFFFFFFF  }
0xa5: {  	s26 =	simm.s32 $execute0_lowered;
	[smem:$0x3FD2] =	sst s25  }
0xa6: {  	s5 =	sshll.u32 s26, $0x1;
	_ =	strace $0x80000046;
	[dreg:$0x1] =	wrdreg $0xFFFFFFFF  }
0xa7: {  	s28 =	simm.s32 $_size_execute0_lowered;
	s3 =	sadd.s32 s3, s5;
	[dreg:$0x0] =	wrdreg $0x0  }
0xa8: {  	s5 =	sshll.u32 s28, $0x1;
	[dreg:$0x2] =	wrdreg s3  }
0xa9: {  	[dreg:$0x3] =	wrdreg s5  }
0xaa: {  	[dreg:$0x4] =	wrdreg $0xC0  }
0xab: {  	_ =	task [dreg:s7], $0x5FFFF  }
0xac: {  	[dreg:$0x1] =	wrdreg $0xFFFFFFFF  }
0xad: {  	[dreg:$0x0] =	wrdreg $0x60  }
0xae: {  	[dreg:$0x2] =	wrdreg s24  }
0xaf: {  	[dreg:$0x3] =	wrdreg s2  }
0xb0: {  	[dreg:$0x4] =	wrdreg $0x9  }
0xb1: {  	_ =	task.clear_ibuf [dreg:s7], $0x5FFFF;
	_ =	strace $0x90000046  }
0xb2: {  	s29 =	simm.s32 $0x9;
	_ =	strace $0x80000048  }
0xb3: {  	_ =	swait.ge [sflag:s29], $0x1  }
0xb4: {  	[sflag:s29] =	ssyncadd.s32 $0xFFFFFFFF  }
0xb5: {  	_ =	strace $0x90000048  }
0xb6: {  	_ =	sfence  }
0xb7: {  	s30 =	sld [smem:$0x0];
	_ =	sdelay $0x2  }
0xb8: {  	s31 =	sshll.u32 s1, $0xD;
	s1 =	sshrl.u32 s1, $0x2  }
0xb9: {  	s3 =	sand.u32 $0x4000, s31;
	s1 =	sadd.s32 s1, s30  }
0xba: {  	s0 =	sor.u32 s3, s0;
	s1 =	sshll.u32 s1, $0x11  }
0xbb: {  	s0 =	sor.u32 s1, s0  }
0xbc: {  	s0 =	sadd.s32 $0x8F2B, s0  }
0xbd: {  	[sflag:s0] =	ssyncadd.remote.s32 $0x1  }
0xbe: {  	_ =	sfence.sel $0xFFFF  }
0xbf: {  	[dreg:$0x0] =	wrdreg $0xFFFFFFFF;
	(pc) =	sbr.abs _section_cstart, $3  }
0xc0: {  	[dreg:$0x1] =	wrdreg $0xFFFFFFFF  }
0xc1: {  	_ =	task.clear_ibuf [dreg:s7], $0x2FFFF;
	_ =	strace $0x9FFFFFFF  }
0xc2: {  	(tm) =	ssettm $0x7FFFFFFF  }
0xc3: {  	_ =	shalt  }
tec
execute0_lowered:
.L_overlay_start_1:
0x0: {  	(tag) =	ssettag $0x1  }
0x1: {  	v0 =	vlaneseq.u32  }
0x2: {  	s4 =	rddreg [dreg:$0x0];
	v0 =	vmul.u32 $0x88, v0  }
0x3: {  	s1 =	rddreg [dreg:$0x1];
	v1 =	vimm.s32 $0x0;
	vm0 =	vcmask $0x300  }
0x4: {  	s0 =	rddreg [dreg:$0x2];
	v1 =	vsel vm0, $0x3, v1;
	v2 =	vadd.s32 $0x880, v0  }
0x5: {  	s5 =	srdreg.scid;
	s2 =	stileid.u32;
	v3 =	vadd.s32 $0x1100, v0;
	v4 =	vadd.s32 $0x1980, v0;
	v5 =	vor.u32 $0x1, v0  }
0x6: {  	s3 =	simm.s32 $0x0;
	s9 =	simm.s32 $0x1000;
	s10 =	simm.s32 $0x5;
	v6 =	vadd.s32 $0x881, v0;
	v7 =	vadd.s32 $0x1101, v0;
	v8 =	vadd.s32 $0x1981, v0  }
0x7: {  	s11 =	simm.s32 $0x6400;
	s12 =	simm.s32 $0x8400;
	s13 =	simm.s32 $0x1;
	v9 =	vor.u32 $0x2, v0;
	v10 =	vadd.s32 $0x882, v0;
	v11 =	vadd.s32 $0x1102, v0  }
0x8: {  	s14 =	simm.s32 $0xA400;
	s15 =	simm.s32 $0x2;
	s16 =	simm.s32 $0x4;
	v12 =	vadd.s32 $0x1982, v0;
	v13 =	vor.u32 $0x3, v0;
	v14 =	vadd.s32 $0x883, v0  }
0x9: {  	s17 =	simm.s32 $0xC600;
	s18 =	simm.s32 $0x3;
	s19 =	simm.s32 $0x0;
	v15 =	vadd.s32 $0x1103, v0;
	v16 =	vadd.s32 $0x1983, v0;
	v17 =	vor.u32 $0x4, v0  }
0xa: {  	s5 =	sand.u32 $0x1, s5;
	s6 =	sshll.u32 s2, $0x1;
	[smem:$0x7FF] =	sst s3;
	v18 =	vadd.s32 $0x884, v0;
	v19 =	vadd.s32 $0x1104, v0;
	v20 =	vadd.s32 $0x1984, v0  }
0xb: {  	s6 =	sor.u32 s5, s6;
	s5 =	ssub.s32 $0x2, s5;
	_ =	strace $0x80000047;
	v21 =	vor.u32 $0x5, v0;
	v22 =	vadd.s32 $0x885, v0;
	v23 =	vadd.s32 $0x1105, v0  }
0xc: {  	s7 =	sshll.u32 s6, $0x4;
	s8 =	sshrl.u32 s5, $0x1;
	s6 =	sshll.u32 s6, $0xA;
	v24 =	vadd.s32 $0x1985, v0;
	v25 =	vor.u32 $0x6, v0;
	v26 =	vadd.s32 $0x886, v0  }
0xd: {  	v27 =	vadd.s32 $0x1106, v0;
	v28 =	vadd.s32 $0x1986, v0;
	v29 =	vor.u32 $0x7, v0;
	s7 =	sadd.s32 s7, s4;
	s4 =	sadd.s32 $0x19600, s4;
	s8 =	ssub.s32 s5, s8  }
0xe: {  	v30 =	vadd.s32 $0x887, v0;
	v31 =	vadd.s32 $0x1107, v0;
	v32 =	vadd.s32 $0x1987, v0;
	s5 =	sadd.s32 $0x600, s7;
	s7 =	smax.u32 s8, $0x1;
	s8 =	simm.s32 $0x80  }
.LBB2_1:
0xf: {  	[tilespmem:s3], [sflag:$0x5] =	stream.strided.gather [hbm4b:s5+s8], $0x6400, s9, s8, $0x38;
	[tilespmem:$0xE800] =	vst v63  }
0x10: {  	_ =	swait.ge [sflag:s10], $0x6400  }
0x11: {  	[sflag:s10] =	ssyncset.done $0x0  }
0x12: {  	s20 =	simm.s32 $0x0;
	[sflag:s10] =	ssyncadd.s32 $0xFFFF9C00  }
0x13: {  	[tilespmem:s11], [sflag:$0x1] =	stream.indirect.gather [hbm4b:s1+s8], $0x40, s3, s8, $0xb8;
	[tilespmem:$0xE800] =	vst v63  }
.LBB2_2:
0x14: {  	s21 =	sshllo.u32 s20, $0x1;
	s25 =	simm.s32 $0x0;
	s26 =	simm.s32 $0x1  }
0x15: {  	s23 =	simm.s32 $0x2;
	s28 =	simm.s32 $0x3;
	s22 =	sshll.u32 s21, $0x7  }
0x16: {  	s29 =	simm.s32 $0x4;
	s24 =	simm.s32 $0x7;
	v33 =	vmov s25;
	s22 =	sand.u32 $0x3FFFFF80, s22  }
0x17: {  	v34 =	vmov s26;
	v35 =	vmov s23;
	[tilespmem:s12], [sflag:$0x2] =	stream.indirect.gather [hbm4b:s1+s8], $0x40, s22, s8, $0xb8;
	[tilespmem:$0xE800] =	vst v63  }
0x18: {  	s30 =	simm.s32 $0x5;
	s31 =	simm.s32 $0x6;
	v36 =	vmov s28;
	v37 =	vmov s29;
	v38 =	vmov s24;
	_ =	swait.ge [sflag:s13], $0x2000  }
0x19: {  	p0 =	seq.s32 s20, $0x0;
	v39 =	vmov s30;
	v40 =	vmov s31;
	v33 =	vshrl.u32 v33, $0x3;
	[sflag:s13] =	ssyncset.done $0x0  }
0x1a: {  	s23 =	simm.s32 @!p0 $0x3;
	v38 =	vshrl.u32 v38, $0x3;
	v34 =	vshrl.u32 v34, $0x3;
	v35 =	vshrl.u32 v35, $0x3;
	[sflag:s13] =	ssyncadd.s32 $0xFFFFE000  }
0x1b: {  	v36 =	vshrl.u32 v36, $0x3;
	v37 =	vshrl.u32 v37, $0x3;
	v38 =	vshll.u32 v38, v1;
	_ =	swait.ge @!p0 [sflag:s23], $0x2000  }
0x1c: {  	v55 =	vshrl.u32 v39, $0x3;
	v33 =	vshll.u32 v33, v1;
	v38 =	vbroadcast v38, $0x0;
	[sflag:s23] =	ssyncset.done @!p0 $0x0  }
0x1d: {  	v40 =	vshrl.u32 v40, $0x3;
	s22 =	simm.s32 $0x6500;
	v34 =	vshll.u32 v34, v1;
	v33 =	vbroadcast v33, $0x0;
	[sflag:s23] =	ssyncadd.s32 @!p0 $0xFFFFE000  }
0x1e: {  	v52 =	vshll.u32 v35, v1;
	v45 =	vbroadcast v34, $0x0;
	v42 =	vadd.s32 v29, v38;
	v41 =	vld [tilespmem:s22+$0xC0]  }
0x1f: {  	v53 =	vshll.u32 v36, v1;
	v52 =	vbroadcast v52, $0x0;
	v44 =	vadd.s32 v0, v33;
	v43 =	vld [tilespmem:s22+$0xFFFFFF00]  }
0x20: {  	v54 =	vshll.u32 v37, v1;
	v35 =	vbroadcast v53, $0x0;
	v47 =	vadd.s32 v5, v45;
	v46 =	vld [tilespmem:s22+$0xFFFFFF40]  }
0x21: {  	v36 =	vshll.u32 v55, v1;
	v34 =	vbroadcast v54, $0x0;
	v49 =	vadd.s32 v9, v52;
	v48 =	vld [tilespmem:s22+$0xFFFFFF80]  }
0x22: {  	v56 =	vshll.u32 v40, v1;
	v37 =	vbroadcast v36, $0x0;
	v50 =	vadd.s32 v13, v35;
	v39 =	vld [tilespmem:s22+$0xFFFFFFC0]  }
0x23: {  	v36 =	vbroadcast v56, $0x0;
	v53 =	vadd.s32 v17, v34;
	v51 =	vld [tilespmem:s22+$0x0];
	[tilespmem:v42+s14+$0x0] =	vst.idx.msk $0xffff, v41  }
0x24: {  	v60 =	vadd.s32 v21, v37;
	v59 =	vld [tilespmem:s22+$0x40];
	[tilespmem:v44+s14+$0x0] =	vst.idx.msk $0xffff, v43  }
0x25: {  	v62 =	vadd.s32 v25, v36;
	v61 =	vld [tilespmem:s22+$0x80];
	[tilespmem:v47+s14+$0x0] =	vst.idx.msk $0xffff, v46  }
0x26: {  	v58 =	vadd.s32 v30, v38;
	[tilespmem:v49+s14+$0x0] =	vst.idx.msk $0xffff, v48;
	v57 =	vld [tilespmem:s22+$0xD0]  }
0x27: {  	v63 =	vadd.s32 v6, v45;
	[tilespmem:v50+s14+$0x0] =	vst.idx.msk $0xffff, v39;
	v47 =	vld [tilespmem:s22+$0xFFFFFF50]  }
0x28: {  	v55 =	vadd.s32 v10, v52;
	[tilespmem:v53+s14+$0x0] =	vst.idx.msk $0xffff, v51;
	v54 =	vld [tilespmem:s22+$0xFFFFFF90]  }
0x29: {  	v56 =	vadd.s32 v14, v35;
	[tilespmem:v60+s14+$0x0] =	vst.idx.msk $0xffff, v59;
	v50 =	vld [tilespmem:s22+$0xFFFFFFD0]  }
0x2a: {  	[tilespmem:v62+s14+$0x0] =	vst.idx.msk $0xffff, v61;
	v46 =	vadd.s32 v22, v37;
	v44 =	vld [tilespmem:s22+$0x50]  }
0x2b: {  	v59 =	vadd.s32 v18, v34;
	[tilespmem:v58+s14+$0x0] =	vst.idx.msk $0xffff, v57;
	v58 =	vld [tilespmem:s22+$0x10]  }
0x2c: {  	v57 =	vadd.s32 v31, v38;
	[tilespmem:v63+s14+$0x0] =	vst.idx.msk $0xffff, v47;
	v40 =	vld [tilespmem:s22+$0xE0]  }
0x2d: {  	v60 =	vadd.s32 v26, v36;
	[tilespmem:v55+s14+$0x0] =	vst.idx.msk $0xffff, v54;
	v63 =	vld [tilespmem:s22+$0x90]  }
0x2e: {  	v62 =	vadd.s32 v2, v33;
	v61 =	vld [tilespmem:s22+$0xFFFFFF10];
	[tilespmem:v56+s14+$0x0] =	vst.idx.msk $0xffff, v50  }
0x2f: {  	v51 =	vadd.s32 v7, v45;
	[tilespmem:v46+s14+$0x0] =	vst.idx.msk $0xffff, v44;
	v50 =	vld [tilespmem:s22+$0xFFFFFF60]  }
0x30: {  	v56 =	vadd.s32 v11, v52;
	v55 =	vld [tilespmem:s22+$0xFFFFFFA0];
	[tilespmem:v59+s14+$0x0] =	vst.idx.msk $0xffff, v58  }
0x31: {  	v58 =	vadd.s32 v15, v35;
	[tilespmem:v57+s14+$0x0] =	vst.idx.msk $0xffff, v40;
	v57 =	vld [tilespmem:s22+$0xFFFFFFE0]  }
0x32: {  	[tilespmem:v60+s14+$0x0] =	vst.idx.msk $0xffff, v63;
	v60 =	vadd.s32 v19, v34;
	v59 =	vld [tilespmem:s22+$0x20]  }
0x33: {  	s25 =	simm.s32 $0x9;
	v38 =	vadd.s32 v32, v38;
	[tilespmem:v62+s14+$0x0] =	vst.idx.msk $0xffff, v61;
	v54 =	vld [tilespmem:s22+$0xF0]  }
0x34: {  	s24 =	simm.s32 $0x8;
	v41 =	vadd.s32 v23, v37;
	v53 =	vmov s25;
	[tilespmem:v51+s14+$0x0] =	vst.idx.msk $0xffff, v50;
	v40 =	vld [tilespmem:s22+$0x60]  }
0x35: {  	s28 =	simm.s32 $0xB;
	s29 =	simm.s32 $0xC;
	v43 =	vadd.s32 v27, v36;
	v48 =	vadd.s32 v3, v33;
	v63 =	vmov s24;
	v42 =	vld [tilespmem:s22+$0xA0];
	[tilespmem:v56+s14+$0x0] =	vst.idx.msk $0xffff, v55  }
0x36: {  	s31 =	simm.s32 $0xE;
	v44 =	vmov s28;
	v47 =	vmov s29;
	v46 =	vld [tilespmem:s22+$0xFFFFFF20];
	v39 =	vshrl.u32 v63, $0x3;
	[tilespmem:v58+s14+$0x0] =	vst.idx.msk $0xffff, v57  }
0x37: {  	s26 =	simm.s32 $0xA;
	s30 =	simm.s32 $0xD;
	v51 =	vadd.s32 v8, v45;
	v49 =	vld [tilespmem:s22+$0xFFFFFF70];
	v45 =	vshll.u32 v39, v1;
	v39 =	vmov s31;
	[tilespmem:v60+s14+$0x0] =	vst.idx.msk $0xffff, v59  }
0x38: {  	s23 =	simm.s32 $0x10;
	v52 =	vadd.s32 v12, v52;
	s24 =	simm.s32 $0xF;
	v50 =	vld [tilespmem:s22+$0xFFFFFFB0];
	[tilespmem:v38+s14+$0x0] =	vst.idx.msk $0xffff, v54;
	v54 =	vmov s26;
	v38 =	vmov s30  }
.LBB2_3:
0x39: {  	p1 =	slt.u32 s23, $0x78;
	v53 =	vshrl.u32 v53, $0x3;
	v55 =	vmov s24;
	v56 =	vld [tilespmem:s22+$0xFFFFFFF0];
	v35 =	vadd.s32 v16, v35;
	[tilespmem:v41+s14+$0x0] =	vst.idx.msk $0xffff, v40  }
0x3a: {  	v40 =	vshrl.u32 v54, $0x3;
	v34 =	vadd.s32 v20, v34;
	v41 =	vshrl.u32 v55, $0x3;
	v54 =	vld [tilespmem:s22+$0x30];
	[tilespmem:v43+s14+$0x0] =	vst.idx.msk $0xffff, v42  }
0x3b: {  	v37 =	vadd.s32 v24, v37;
	v42 =	vshrl.u32 v44, $0x3;
	v41 =	vshll.u32 v41, v1;
	[tilespmem:v48+s14+$0x0] =	vst.idx.msk $0xffff, v46;
	v43 =	vld [tilespmem:s22+$0x70]  }
0x3c: {  	v36 =	vadd.s32 v28, v36;
	v44 =	vshrl.u32 v47, $0x3;
	v41 =	vbroadcast v41, $0x0;
	[tilespmem:v51+s14+$0x0] =	vst.idx.msk $0xffff, v49;
	v46 =	vld [tilespmem:s22+$0xB0]  }
0x3d: {  	v47 =	vshll.u32 v53, v1;
	v49 =	vadd.s32 v4, v33;
	v33 =	vbroadcast v45, $0x0;
	v48 =	vld [tilespmem:s22+$0xFFFFFF30];
	[tilespmem:v52+s14+$0x0] =	vst.idx.msk $0xffff, v50;
	s22 =	sadd.s32 $0x200, s22  }
0x3e: {  	v40 =	vshll.u32 v40, v1;
	v45 =	vbroadcast v47, $0x0;
	v47 =	vld [tilespmem:s22+$0xC0];
	v50 =	vadd.s32 v29, v41;
	[tilespmem:v35+s14+$0x0] =	vst.idx.msk $0xffff, v56  }
0x3f: {  	v55 =	vbroadcast v40, $0x0;
	v52 =	vadd.s32 v0, v33;
	v35 =	vshll.u32 v42, v1;
	v51 =	vld [tilespmem:s22+$0xFFFFFF00];
	[tilespmem:v34+s14+$0x0] =	vst.idx.msk $0xffff, v54  }
0x40: {  	v42 =	vadd.s32 v5, v45;
	v35 =	vbroadcast v35, $0x0;
	v34 =	vshll.u32 v44, v1;
	v40 =	vld [tilespmem:s22+$0xFFFFFF40];
	[tilespmem:v37+s14+$0x0] =	vst.idx.msk $0xffff, v43  }
0x41: {  	v44 =	vadd.s32 v9, v55;
	v34 =	vbroadcast v34, $0x0;
	v37 =	vshrl.u32 v38, $0x3;
	v43 =	vld [tilespmem:s22+$0xFFFFFF80];
	[tilespmem:v36+s14+$0x0] =	vst.idx.msk $0xffff, v46  }
0x42: {  	v39 =	vshrl.u32 v39, $0x3;
	v46 =	vadd.s32 v13, v35;
	v36 =	vshll.u32 v37, v1;
	v38 =	vld [tilespmem:s22+$0xFFFFFFC0];
	[tilespmem:v49+s14+$0x0] =	vst.idx.msk $0xffff, v48  }
0x43: {  	v49 =	vadd.s32 v17, v34;
	v37 =	vbroadcast v36, $0x0;
	v36 =	vshll.u32 v39, v1;
	v48 =	vld [tilespmem:s22+$0x0];
	[tilespmem:v50+s14+$0x0] =	vst.idx.msk $0xffff, v47  }
0x44: {  	v36 =	vbroadcast v36, $0x0;
	v47 =	vadd.s32 v30, v41;
	[tilespmem:v52+s14+$0x0] =	vst.idx.msk $0xffff, v51;
	v39 =	vld [tilespmem:s22+$0xD0]  }
0x45: {  	[tilespmem:v42+s14+$0x0] =	vst.idx.msk $0xffff, v40;
	v40 =	vld [tilespmem:s22+$0x40];
	v42 =	vadd.s32 v21, v37  }
0x46: {  	[tilespmem:v44+s14+$0x0] =	vst.idx.msk $0xffff, v43;
	v43 =	vld [tilespmem:s22+$0x80];
	v44 =	vadd.s32 v25, v36  }
0x47: {  	v51 =	vadd.s32 v6, v45;
	v50 =	vld [tilespmem:s22+$0xFFFFFF50];
	[tilespmem:v46+s14+$0x0] =	vst.idx.msk $0xffff, v38  }
0x48: {  	v46 =	vadd.s32 v10, v55;
	v38 =	vld [tilespmem:s22+$0xFFFFFF90];
	[tilespmem:v49+s14+$0x0] =	vst.idx.msk $0xffff, v48  }
0x49: {  	v49 =	vadd.s32 v14, v35;
	v48 =	vld [tilespmem:s22+$0xFFFFFFD0];
	[tilespmem:v47+s14+$0x0] =	vst.idx.msk $0xffff, v39  }
0x4a: {  	[tilespmem:v42+s14+$0x0] =	vst.idx.msk $0xffff, v40;
	v39 =	vld [tilespmem:s22+$0xE0];
	v40 =	vadd.s32 v31, v41  }
0x4b: {  	v47 =	vadd.s32 v18, v34;
	v42 =	vld [tilespmem:s22+$0x10];
	[tilespmem:v44+s14+$0x0] =	vst.idx.msk $0xffff, v43  }
0x4c: {  	v44 =	vadd.s32 v22, v37;
	[tilespmem:v51+s14+$0x0] =	vst.idx.msk $0xffff, v50;
	v43 =	vld [tilespmem:s22+$0x50]  }
0x4d: {  	[tilespmem:v46+s14+$0x0] =	vst.idx.msk $0xffff, v38;
	v38 =	vld [tilespmem:s22+$0x90];
	v46 =	vadd.s32 v26, v36  }
0x4e: {  	v51 =	vadd.s32 v2, v33;
	v50 =	vld [tilespmem:s22+$0xFFFFFF10];
	[tilespmem:v49+s14+$0x0] =	vst.idx.msk $0xffff, v48  }
0x4f: {  	v49 =	vadd.s32 v7, v45;
	v48 =	vld [tilespmem:s22+$0xFFFFFF60];
	[tilespmem:v40+s14+$0x0] =	vst.idx.msk $0xffff, v39  }
0x50: {  	[tilespmem:v47+s14+$0x0] =	vst.idx.msk $0xffff, v42;
	v39 =	vld [tilespmem:s22+$0xF0];
	v47 =	vadd.s32 v32, v41  }
0x51: {  	v56 =	vadd.s32 v11, v55;
	v52 =	vld [tilespmem:s22+$0xFFFFFFA0];
	[tilespmem:v44+s14+$0x0] =	vst.idx.msk $0xffff, v43  }
0x52: {  	v58 =	vadd.s32 v15, v35;
	v57 =	vld [tilespmem:s22+$0xFFFFFFE0];
	[tilespmem:v46+s14+$0x0] =	vst.idx.msk $0xffff, v38  }
0x53: {  	v60 =	vadd.s32 v19, v34;
	[tilespmem:v51+s14+$0x0] =	vst.idx.msk $0xffff, v50;
	v59 =	vld [tilespmem:s22+$0x20]  }
.Ltmp0:
0x54: {  	s24 =	sadd.s32 $0x1, s23;
	v41 =	vadd.s32 v23, v37;
	v38 =	vmov s23;
	[tilespmem:v49+s14+$0x0] =	vst.idx.msk $0xffff, v48;
	v40 =	vld [tilespmem:s22+$0x60];
	(pc) =	sbr.rel @p1 .LBB2_3-.Ltmp0, $4  }
0x55: {  	s25 =	sadd.s32 $0x3, s23;
	v53 =	vmov s24;
	s24 =	sadd.s32 $0x2, s23;
	v43 =	vadd.s32 v27, v36;
	v50 =	vshrl.u32 v38, $0x3;
	v42 =	vld [tilespmem:s22+$0xA0];
	[tilespmem:v47+s14+$0x0] =	vst.idx.msk $0xffff, v39  }
0x56: {  	v54 =	vmov s24;
	s24 =	sadd.s32 $0x4, s23;
	v44 =	vmov s25;
	s25 =	sadd.s32 $0x5, s23;
	v48 =	vadd.s32 v3, v33;
	v46 =	vld [tilespmem:s22+$0xFFFFFF20];
	[tilespmem:v56+s14+$0x0] =	vst.idx.msk $0xffff, v52  }
0x57: {  	v38 =	vmov s25;
	v51 =	vadd.s32 v8, v45;
	v47 =	vmov s24;
	s24 =	sadd.s32 $0x6, s23;
	v49 =	vld [tilespmem:s22+$0xFFFFFF70];
	[tilespmem:v58+s14+$0x0] =	vst.idx.msk $0xffff, v57  }
0x58: {  	v45 =	vshll.u32 v50, v1;
	v39 =	vmov s24;
	s24 =	sadd.s32 $0x7, s23;
	s23 =	sadd.s32 $0x8, s23;
	v52 =	vadd.s32 v12, v55;
	v50 =	vld [tilespmem:s22+$0xFFFFFFB0];
	[tilespmem:v60+s14+$0x0] =	vst.idx.msk $0xffff, v59  }
0x59: {  	_ =	sdelay $0x2  }
0x5a: {  	v53 =	vshrl.u32 v53, $0x3  }
0x5b: {  	v55 =	vmov s24;
	v56 =	vld [tilespmem:s22+$0xFFFFFFF0];
	v35 =	vadd.s32 v16, v35;
	[tilespmem:v41+s14+$0x0] =	vst.idx.msk $0xffff, v40;
	v57 =	vshrl.u32 v54, $0x3  }
0x5c: {  	v59 =	vld [tilespmem:s22+$0x30];
	v34 =	vadd.s32 v20, v34;
	v60 =	vshrl.u32 v44, $0x3;
	v58 =	vshrl.u32 v55, $0x3;
	[tilespmem:v43+s14+$0x0] =	vst.idx.msk $0xffff, v42  }
0x5d: {  	v37 =	vadd.s32 v24, v37;
	v62 =	vshrl.u32 v47, $0x3;
	v61 =	vld [tilespmem:s22+$0x70];
	v41 =	vshll.u32 v58, v1;
	[tilespmem:v48+s14+$0x0] =	vst.idx.msk $0xffff, v46  }
0x5e: {  	v36 =	vadd.s32 v28, v36;
	v45 =	vbroadcast v45, $0x0;
	v63 =	vld [tilespmem:s22+$0xB0];
	v41 =	vbroadcast v41, $0x0;
	[tilespmem:v51+s14+$0x0] =	vst.idx.msk $0xffff, v49  }
0x5f: {  	v33 =	vadd.s32 v4, v33;
	s31 =	sadd.s32 $0x200, s22;
	v38 =	vshrl.u32 v38, $0x3;
	v55 =	vshll.u32 v53, v1;
	v48 =	vld [tilespmem:s22+$0xFFFFFF30];
	[tilespmem:v52+s14+$0x0] =	vst.idx.msk $0xffff, v50  }
0x60: {  	v40 =	vshll.u32 v57, v1;
	v47 =	vbroadcast v55, $0x0;
	v49 =	vld [tilespmem:s31+$0xC0];
	v50 =	vadd.s32 v29, v41;
	[tilespmem:v35+s14+$0x0] =	vst.idx.msk $0xffff, v56  }
0x61: {  	v42 =	vshll.u32 v60, v1;
	v40 =	vbroadcast v40, $0x0;
	v35 =	vld [tilespmem:s31+$0xFFFFFF00];
	v56 =	vadd.s32 v0, v45;
	[tilespmem:v34+s14+$0x0] =	vst.idx.msk $0xffff, v59  }
0x62: {  	v57 =	vld [tilespmem:s31+$0xFFFFFF40];
	v44 =	vshll.u32 v62, v1;
	v42 =	vbroadcast v42, $0x0;
	v58 =	vadd.s32 v5, v47;
	[tilespmem:v37+s14+$0x0] =	vst.idx.msk $0xffff, v61  }
0x63: {  	v38 =	vshll.u32 v38, v1;
	v44 =	vbroadcast v44, $0x0;
	v60 =	vadd.s32 v9, v40;
	v59 =	vld [tilespmem:s31+$0xFFFFFF80];
	[tilespmem:v36+s14+$0x0] =	vst.idx.msk $0xffff, v63  }
0x64: {  	v38 =	vbroadcast v38, $0x0;
	v62 =	vadd.s32 v13, v42;
	v61 =	vld [tilespmem:s31+$0xFFFFFFC0];
	[tilespmem:v33+s14+$0x0] =	vst.idx.msk $0xffff, v48  }
0x65: {  	v39 =	vshrl.u32 v39, $0x3;
	v63 =	vadd.s32 v17, v44;
	v33 =	vld [tilespmem:s31+$0x0];
	[tilespmem:v50+s14+$0x0] =	vst.idx.msk $0xffff, v49  }
0x66: {  	v39 =	vshll.u32 v39, v1;
	v34 =	vld [tilespmem:s31+$0x40];
	[tilespmem:v56+s14+$0x0] =	vst.idx.msk $0xffff, v35;
	v56 =	vadd.s32 v21, v38  }
0x67: {  	[tilespmem:v58+s14+$0x0] =	vst.idx.msk $0xffff, v57;
	v35 =	vbroadcast v39, $0x0;
	v49 =	vadd.s32 v30, v41;
	v39 =	vld [tilespmem:s31+$0xD0]  }
0x68: {  	[tilespmem:v60+s14+$0x0] =	vst.idx.msk $0xffff, v59;
	v59 =	vld [tilespmem:s31+$0xFFFFFF50];
	v60 =	vadd.s32 v6, v47  }
0x69: {  	v57 =	vld [tilespmem:s31+$0x80];
	[tilespmem:v62+s14+$0x0] =	vst.idx.msk $0xffff, v61;
	v58 =	vadd.s32 v25, v35  }
0x6a: {  	v61 =	vld [tilespmem:s31+$0xFFFFFF90];
	v62 =	vadd.s32 v10, v40;
	[tilespmem:v63+s14+$0x0] =	vst.idx.msk $0xffff, v33  }
0x6b: {  	v33 =	vld [tilespmem:s31+$0xFFFFFFD0];
	v63 =	vadd.s32 v14, v42;
	[tilespmem:v56+s14+$0x0] =	vst.idx.msk $0xffff, v34  }
0x6c: {  	v56 =	vadd.s32 v18, v44;
	[tilespmem:v49+s14+$0x0] =	vst.idx.msk $0xffff, v39;
	v49 =	vld [tilespmem:s31+$0x10]  }
0x6d: {  	[tilespmem:v60+s14+$0x0] =	vst.idx.msk $0xffff, v59;
	v39 =	vadd.s32 v31, v41;
	v34 =	vld [tilespmem:s31+$0xE0]  }
0x6e: {  	[tilespmem:v58+s14+$0x0] =	vst.idx.msk $0xffff, v57;
	v57 =	vld [tilespmem:s31+$0x50];
	v58 =	vadd.s32 v22, v38  }
0x6f: {  	[tilespmem:v62+s14+$0x0] =	vst.idx.msk $0xffff, v61;
	v61 =	vld [tilespmem:s31+$0xFFFFFF10];
	v62 =	vadd.s32 v2, v45  }
0x70: {  	v60 =	vadd.s32 v26, v35;
	v59 =	vld [tilespmem:s31+$0x90];
	[tilespmem:v63+s14+$0x0] =	vst.idx.msk $0xffff, v33  }
0x71: {  	v55 =	vadd.s32 v11, v40;
	v54 =	vadd.s32 v32, v41;
	v41 =	vld [tilespmem:s31+$0xFFFFFFA0];
	[tilespmem:v56+s14+$0x0] =	vst.idx.msk $0xffff, v49  }
0x72: {  	v53 =	vadd.s32 v7, v47;
	v63 =	vld [tilespmem:s31+$0xFFFFFF60];
	[tilespmem:v39+s14+$0x0] =	vst.idx.msk $0xffff, v34  }
0x73: {  	v56 =	vld [tilespmem:s31+$0xFFFFFFE0];
	[tilespmem:v58+s14+$0x0] =	vst.idx.msk $0xffff, v57;
	v57 =	vadd.s32 v15, v42  }
0x74: {  	[tilespmem:v62+s14+$0x0] =	vst.idx.msk $0xffff, v61;
	v34 =	vld [tilespmem:s31+$0xF0]  }
0x75: {  	v58 =	vld [tilespmem:s31+$0x20];
	[tilespmem:v60+s14+$0x0] =	vst.idx.msk $0xffff, v59;
	v59 =	vadd.s32 v19, v44  }
0x76: {  	v61 =	vadd.s32 v23, v38;
	[tilespmem:v55+s14+$0x0] =	vst.idx.msk $0xffff, v41;
	v60 =	vld [tilespmem:s31+$0x60]  }
0x77: {  	[tilespmem:v53+s14+$0x0] =	vst.idx.msk $0xffff, v63;
	v63 =	vadd.s32 v27, v35;
	v62 =	vld [tilespmem:s31+$0xA0]  }
0x78: {  	v47 =	vadd.s32 v8, v47;
	v55 =	vld [tilespmem:s31+$0xFFFFFF70];
	[tilespmem:v57+s14+$0x0] =	vst.idx.msk $0xffff, v56  }
0x79: {  	v53 =	vld [tilespmem:s31+$0xFFFFFF20];
	[tilespmem:v54+s14+$0x0] =	vst.idx.msk $0xffff, v34;
	v54 =	vadd.s32 v3, v45  }
0x7a: {  	v40 =	vadd.s32 v12, v40;
	v56 =	vld [tilespmem:s31+$0xFFFFFFB0];
	[tilespmem:v59+s14+$0x0] =	vst.idx.msk $0xffff, v58  }
0x7b: {  	v42 =	vadd.s32 v16, v42;
	v57 =	vld [tilespmem:s31+$0xFFFFFFF0];
	[tilespmem:v61+s14+$0x0] =	vst.idx.msk $0xffff, v60  }
0x7c: {  	v59 =	vadd.s32 v20, v44;
	v58 =	vld [tilespmem:s31+$0x30];
	[tilespmem:v63+s14+$0x0] =	vst.idx.msk $0xffff, v62  }
0x7d: {  	v38 =	vadd.s32 v24, v38;
	v60 =	vld [tilespmem:s31+$0x70];
	[tilespmem:v47+s14+$0x0] =	vst.idx.msk $0xffff, v55  }
0x7e: {  	v35 =	vadd.s32 v28, v35;
	v61 =	vld [tilespmem:s31+$0xB0];
	[tilespmem:v54+s14+$0x0] =	vst.idx.msk $0xffff, v53  }
0x7f: {  	v63 =	vadd.s32 v4, v45;
	[tilespmem:v40+s14+$0x0] =	vst.idx.msk $0xffff, v56;
	v62 =	vld [tilespmem:s31+$0xFFFFFF30]  }
0x80: {  	[tilespmem:v42+s14+$0x0] =	vst.idx.msk $0xffff, v57  }
0x81: {  	s23 =	sshll.u32 s20, $0x13;
	[tilespmem:v59+s14+$0x0] =	vst.idx.msk $0xffff, v58  }
0x82: {  	s22 =	sor.u32 s6, s23;
	[tilespmem:v38+s14+$0x0] =	vst.idx.msk $0xffff, v60  }
0x83: {  	s22 =	sshrl.u32 s22, $0x3;
	[tilespmem:v35+s14+$0x0] =	vst.idx.msk $0xffff, v61  }
0x84: {  	s24 =	simm.s32 $0xA400;
	s23 =	sadd.s32 s4, s22;
	[tilespmem:v63+s14+$0x0] =	vst.idx.msk $0xffff, v62  }
0x85: {  	[hbm4b:s23+s3] =	stream.linear.scatter [tilespmem:s24], [sflag:$0x3], $0x80, $0x38;
	[tilespmem:$0xE800] =	vst v63  }
0x86: {  	s25 =	simm.s32 $0xA488;
	s26 =	sadd.s32 $0x10, s23  }
0x87: {  	[hbm4b:s26+s3] =	stream.linear.scatter [tilespmem:s25], [sflag:$0x3], $0x80, $0x38;
	[tilespmem:$0xE800] =	vst v63  }
0x88: {  	s28 =	simm.s32 $0xA510;
	s30 =	simm.s32 $0xA598;
	s29 =	sadd.s32 $0x20, s23  }
0x89: {  	[hbm4b:s29+s3] =	stream.linear.scatter [tilespmem:s28], [sflag:$0x3], $0x80, $0x38;
	[tilespmem:$0xE800] =	vst v63  }
0x8a: {  	s22 =	simm.s32 $0x440;
	s31 =	sadd.s32 $0x30, s23;
	s24 =	simm.s32 $0x2200  }
0x8b: {  	[hbm4b:s31+s3] =	stream.linear.scatter [tilespmem:s30], [sflag:$0x3], $0x80, $0x38;
	[tilespmem:$0xE800] =	vst v63  }
0x8c: {  	s25 =	simm.s32 $0xA620;
	s26 =	sadd.s32 $0x40, s23;
	s28 =	simm.s32 $0xA6A8  }
0x8d: {  	[hbm4b:s26+s3] =	stream.linear.scatter [tilespmem:s25], [sflag:$0x3], $0x80, $0x38;
	[tilespmem:$0xE800] =	vst v63  }
0x8e: {  	s29 =	sadd.s32 $0x50, s23;
	s30 =	simm.s32 $0xA730;
	s31 =	sadd.s32 $0x60, s23  }
0x8f: {  	[hbm4b:s29+s3] =	stream.linear.scatter [tilespmem:s28], [sflag:$0x3], $0x80, $0x38;
	[tilespmem:$0xE800] =	vst v63  }
0x90: {  	s25 =	simm.s32 $0xA7B8;
	s26 =	sadd.s32 $0x70, s23;
	s23 =	sadd.s32 $0x1000, s23  }
0x91: {  	[hbm4b:s31+s3] =	stream.linear.scatter [tilespmem:s30], [sflag:$0x3], $0x80, $0x38;
	[tilespmem:$0xE800] =	vst v63  }
.LBB2_5:
0x92: {  	[hbm4b:s26+s3] =	stream.linear.scatter [tilespmem:s25], [sflag:$0x3], $0x80, $0x38;
	[tilespmem:$0xE800] =	vst v63  }
0x93: {  	s25 =	smov.u32 s22;
	s22 =	smov.u32 s24  }
0x94: {  	s28 =	sadd.s32 $0x1100, s24;
	s22 =	sshra.s32 s22, $0x2;
	s26 =	sadd.s32 $0xA400, s25  }
0x95: {  	[hbm4b:s23+s3] =	stream.linear.scatter [tilespmem:s26], [sflag:$0x3], $0x80, $0x38;
	[tilespmem:$0xE800] =	vst v63  }
0x96: {  	p1 =	sne.s32 s24, $0x7700;
	s24 =	sadd.s32 $0xA488, s25;
	s26 =	sadd.s32 $0x10, s23  }
0x97: {  	[hbm4b:s26+s3] =	stream.linear.scatter [tilespmem:s24], [sflag:$0x3], $0x80, $0x38;
	[tilespmem:$0xE800] =	vst v63  }
0x98: {  	s24 =	sadd.s32 $0xA510, s25;
	s26 =	sadd.s32 $0x20, s23  }
0x99: {  	[hbm4b:s26+s3] =	stream.linear.scatter [tilespmem:s24], [sflag:$0x3], $0x80, $0x38;
	[tilespmem:$0xE800] =	vst v63  }
0x9a: {  	s24 =	sadd.s32 $0xA598, s25;
	s26 =	sadd.s32 $0x30, s23  }
0x9b: {  	[hbm4b:s26+s3] =	stream.linear.scatter [tilespmem:s24], [sflag:$0x3], $0x80, $0x38;
	[tilespmem:$0xE800] =	vst v63  }
0x9c: {  	s24 =	sadd.s32 $0xA620, s25;
	s26 =	sadd.s32 $0x40, s23  }
0x9d: {  	[hbm4b:s26+s3] =	stream.linear.scatter [tilespmem:s24], [sflag:$0x3], $0x80, $0x38;
	[tilespmem:$0xE800] =	vst v63  }
.Ltmp1:
0x9e: {  	s24 =	sadd.s32 $0xA6A8, s25;
	s26 =	sadd.s32 $0x50, s23;
	(pc) =	sbr.rel @p1 .LBB2_5-.Ltmp1, $4  }
0x9f: {  	[hbm4b:s26+s3] =	stream.linear.scatter [tilespmem:s24], [sflag:$0x3], $0x80, $0x38;
	[tilespmem:$0xE800] =	vst v63  }
0xa0: {  	s24 =	sadd.s32 $0xA730, s25;
	s26 =	sadd.s32 $0x60, s23;
	s25 =	sadd.s32 $0xA7B8, s25  }
0xa1: {  	[hbm4b:s26+s3] =	stream.linear.scatter [tilespmem:s24], [sflag:$0x3], $0x80, $0x38;
	[tilespmem:$0xE800] =	vst v63  }
0xa2: {  	s26 =	sadd.s32 $0x70, s23;
	s23 =	sadd.s32 $0x1000, s23;
	s24 =	smov.u32 s28  }
0xa3: {  	[hbm4b:s26+s3] =	stream.linear.scatter [tilespmem:s25], [sflag:$0x3], $0x80, $0x38;
	[tilespmem:$0xE800] =	vst v63  }
0xa4: {  	s24 =	sadd.s32 $0xA400, s22  }
0xa5: {  	[hbm4b:s23+s3] =	stream.linear.scatter [tilespmem:s24], [sflag:$0x3], $0x80, $0x38;
	[tilespmem:$0xE800] =	vst v63  }
0xa6: {  	s30 =	sadd.s32 $0xA488, s22;
	s31 =	sadd.s32 $0x10, s23  }
0xa7: {  	[hbm4b:s31+s3] =	stream.linear.scatter [tilespmem:s30], [sflag:$0x3], $0x80, $0x38;
	[tilespmem:$0xE800] =	vst v63  }
0xa8: {  	s25 =	sadd.s32 $0xA510, s22;
	s26 =	sadd.s32 $0x20, s23  }
0xa9: {  	[hbm4b:s26+s3] =	stream.linear.scatter [tilespmem:s25], [sflag:$0x3], $0x80, $0x38;
	[tilespmem:$0xE800] =	vst v63  }
0xaa: {  	s28 =	sadd.s32 $0xA598, s22;
	s29 =	sadd.s32 $0x30, s23  }
0xab: {  	[hbm4b:s29+s3] =	stream.linear.scatter [tilespmem:s28], [sflag:$0x3], $0x80, $0x38;
	[tilespmem:$0xE800] =	vst v63  }
0xac: {  	s30 =	sadd.s32 $0xA620, s22;
	s31 =	sadd.s32 $0x40, s23  }
0xad: {  	[hbm4b:s31+s3] =	stream.linear.scatter [tilespmem:s30], [sflag:$0x3], $0x80, $0x38;
	[tilespmem:$0xE800] =	vst v63  }
0xae: {  	p1 =	sne.s32 s20, $0x63;
	s25 =	sadd.s32 $0xA6A8, s22;
	s26 =	sadd.s32 $0x50, s23  }
0xaf: {  	[hbm4b:s26+s3] =	stream.linear.scatter [tilespmem:s25], [sflag:$0x3], $0x80, $0x38;
	[tilespmem:$0xE800] =	vst v63  }
.Ltmp2:
0xb0: {  	_ = 	snop;
	(pc) =	sbr.rel @p1 .LBB2_8-.Ltmp2, $4  }
0xb1: {  	s28 =	sadd.s32 $0xA730, s22;
	s29 =	sadd.s32 $0x60, s23  }
0xb2: {  	[hbm4b:s29+s3] =	stream.linear.scatter [tilespmem:s28], [sflag:$0x3], $0x80, $0x38;
	[tilespmem:$0xE800] =	vst v63  }
0xb3: {  	s30 =	sadd.s32 $0xA7B8, s22;
	s31 =	sadd.s32 $0x70, s23  }
0xb4: {  	[hbm4b:s31+s3] =	stream.linear.scatter [tilespmem:s30], [sflag:$0x3], $0x80, $0x38;
	[tilespmem:$0xE800] =	vst v63  }
.Ltmp3:
0xb5: {  	(pc) =	sbr.rel .LBB2_9-.Ltmp3, $4  }
0xb6: {  	_ = 	snop  }
0xb7: {  	_ =	swait.ge [sflag:s15], $0x2000  }
0xb8: {  	[sflag:s15] =	ssyncset.done $0x0  }
0xb9: {  	[sflag:s15] =	ssyncadd.s32 $0xFFFFE000  }
.LBB2_8:
0xba: {  	s22 =	sshll.u32 s20, $0x8  }
0xbb: {  	s22 =	sand.u32 $0x3FFFFF00, s22  }
.Ltmp4:
0xbc: {  	s22 =	sadd.s32 $0x100, s22;
	(pc) =	sbr.rel @p0 .LBB2_10-.Ltmp4, $4  }
0xbd: {  	[tilespmem:s11], [sflag:$0x1] =	stream.indirect.gather [hbm4b:s1+s8], $0x40, s22, s8, $0xb8;
	[tilespmem:$0xE800] =	vst v63  }
0xbe: {  	_ =	swait.ge [sflag:s15], $0x2000  }
0xbf: {  	[sflag:s15] =	ssyncset.done $0x0  }
0xc0: {  	[sflag:s15] =	ssyncadd.s32 $0xFFFFE000  }
.LBB2_9:
0xc1: {  	_ =	swait.ge [sflag:s16], $0x2000  }
0xc2: {  	[sflag:s16] =	ssyncset.done $0x0  }
0xc3: {  	[sflag:s16] =	ssyncadd.s32 $0xFFFFE000  }
.LBB2_10:
0xc4: {  	s22 =	simm.s32 $0x0;
	s28 =	simm.s32 $0x1;
	s23 =	simm.s32 $0x2  }
0xc5: {  	s29 =	simm.s32 $0x3;
	s30 =	simm.s32 $0x4;
	s24 =	simm.s32 $0x7;
	v33 =	vmov s22;
	v34 =	vmov s28;
	v35 =	vmov s23  }
0xc6: {  	s31 =	simm.s32 $0x5;
	v36 =	vmov s29;
	v37 =	vmov s30;
	v38 =	vmov s24  }
0xc7: {  	v39 =	vmov s31;
	s23 =	simm.s32 $0x6;
	v33 =	vshrl.u32 v33, $0x3;
	v38 =	vshrl.u32 v38, $0x3  }
0xc8: {  	v40 =	vmov s23;
	v34 =	vshrl.u32 v34, $0x3;
	v35 =	vshrl.u32 v35, $0x3  }
0xc9: {  	v36 =	vshrl.u32 v36, $0x3;
	v37 =	vshrl.u32 v37, $0x3;
	v38 =	vshll.u32 v38, v1  }
0xca: {  	v55 =	vshrl.u32 v39, $0x3;
	v33 =	vshll.u32 v33, v1;
	v38 =	vbroadcast v38, $0x0  }
0xcb: {  	s22 =	simm.s32 $0x85F0;
	v34 =	vshll.u32 v34, v1;
	v52 =	vshll.u32 v35, v1;
	v33 =	vbroadcast v33, $0x0  }
0xcc: {  	v41 =	vld [tilespmem:s22+$0xFFFFFFD0];
	v53 =	vshll.u32 v36, v1;
	v45 =	vbroadcast v34, $0x0;
	v42 =	vadd.s32 v29, v38  }
0xcd: {  	v43 =	vld [tilespmem:s22+$0xFFFFFE10];
	v54 =	vshll.u32 v37, v1;
	v52 =	vbroadcast v52, $0x0;
	v44 =	vadd.s32 v0, v33  }
0xce: {  	v46 =	vld [tilespmem:s22+$0xFFFFFE50];
	v36 =	vshll.u32 v55, v1;
	v35 =	vbroadcast v53, $0x0;
	v47 =	vadd.s32 v5, v45  }
0xcf: {  	v48 =	vld [tilespmem:s22+$0xFFFFFE90];
	v40 =	vshrl.u32 v40, $0x3;
	v34 =	vbroadcast v54, $0x0;
	v49 =	vadd.s32 v9, v52  }
0xd0: {  	v39 =	vld [tilespmem:s22+$0xFFFFFED0];
	v37 =	vbroadcast v36, $0x0;
	v56 =	vshll.u32 v40, v1;
	v50 =	vadd.s32 v13, v35  }
0xd1: {  	v51 =	vld [tilespmem:s22+$0xFFFFFF10];
	v36 =	vbroadcast v56, $0x0;
	v53 =	vadd.s32 v17, v34;
	[tilespmem:v42+s17+$0x0] =	vst.idx.msk $0xffff, v41  }
0xd2: {  	v59 =	vld [tilespmem:s22+$0xFFFFFF50];
	v60 =	vadd.s32 v21, v37;
	[tilespmem:v44+s17+$0x0] =	vst.idx.msk $0xffff, v43  }
0xd3: {  	v61 =	vld [tilespmem:s22+$0xFFFFFF90];
	v62 =	vadd.s32 v25, v36;
	[tilespmem:v47+s17+$0x0] =	vst.idx.msk $0xffff, v46  }
0xd4: {  	v58 =	vadd.s32 v30, v38;
	[tilespmem:v49+s17+$0x0] =	vst.idx.msk $0xffff, v48;
	v57 =	vld [tilespmem:s22+$0xFFFFFFE0]  }
0xd5: {  	v63 =	vadd.s32 v6, v45;
	[tilespmem:v50+s17+$0x0] =	vst.idx.msk $0xffff, v39;
	v47 =	vld [tilespmem:s22+$0xFFFFFE60]  }
0xd6: {  	v55 =	vadd.s32 v10, v52;
	[tilespmem:v53+s17+$0x0] =	vst.idx.msk $0xffff, v51;
	v54 =	vld [tilespmem:s22+$0xFFFFFEA0]  }
0xd7: {  	v56 =	vadd.s32 v14, v35;
	[tilespmem:v60+s17+$0x0] =	vst.idx.msk $0xffff, v59;
	v50 =	vld [tilespmem:s22+$0xFFFFFEE0]  }
0xd8: {  	v46 =	vadd.s32 v22, v37;
	[tilespmem:v62+s17+$0x0] =	vst.idx.msk $0xffff, v61;
	v44 =	vld [tilespmem:s22+$0xFFFFFF60]  }
0xd9: {  	v59 =	vadd.s32 v18, v34;
	[tilespmem:v58+s17+$0x0] =	vst.idx.msk $0xffff, v57;
	v58 =	vld [tilespmem:s22+$0xFFFFFF20]  }
0xda: {  	v57 =	vadd.s32 v31, v38;
	[tilespmem:v63+s17+$0x0] =	vst.idx.msk $0xffff, v47;
	v40 =	vld [tilespmem:s22+$0xFFFFFFF0]  }
0xdb: {  	v60 =	vadd.s32 v26, v36;
	[tilespmem:v55+s17+$0x0] =	vst.idx.msk $0xffff, v54;
	v63 =	vld [tilespmem:s22+$0xFFFFFFA0]  }
0xdc: {  	v61 =	vld [tilespmem:s22+$0xFFFFFE20];
	v62 =	vadd.s32 v2, v33;
	[tilespmem:v56+s17+$0x0] =	vst.idx.msk $0xffff, v50  }
0xdd: {  	v51 =	vadd.s32 v7, v45;
	[tilespmem:v46+s17+$0x0] =	vst.idx.msk $0xffff, v44;
	v50 =	vld [tilespmem:s22+$0xFFFFFE70]  }
0xde: {  	v56 =	vadd.s32 v11, v52;
	v55 =	vld [tilespmem:s22+$0xFFFFFEB0];
	[tilespmem:v59+s17+$0x0] =	vst.idx.msk $0xffff, v58  }
0xdf: {  	v58 =	vadd.s32 v15, v35;
	[tilespmem:v57+s17+$0x0] =	vst.idx.msk $0xffff, v40;
	v57 =	vld [tilespmem:s22+$0xFFFFFEF0]  }
0xe0: {  	[tilespmem:v60+s17+$0x0] =	vst.idx.msk $0xffff, v63;
	v60 =	vadd.s32 v19, v34;
	v59 =	vld [tilespmem:s22+$0xFFFFFF30]  }
0xe1: {  	s25 =	simm.s32 $0x9;
	v38 =	vadd.s32 v32, v38;
	[tilespmem:v62+s17+$0x0] =	vst.idx.msk $0xffff, v61;
	v54 =	vld [tilespmem:s22+$0x0]  }
0xe2: {  	s24 =	simm.s32 $0x8;
	v41 =	vadd.s32 v23, v37;
	v53 =	vmov s25;
	[tilespmem:v51+s17+$0x0] =	vst.idx.msk $0xffff, v50;
	v40 =	vld [tilespmem:s22+$0xFFFFFF70]  }
0xe3: {  	s28 =	simm.s32 $0xB;
	s29 =	simm.s32 $0xC;
	v43 =	vadd.s32 v27, v36;
	v48 =	vadd.s32 v3, v33;
	v63 =	vmov s24;
	v42 =	vld [tilespmem:s22+$0xFFFFFFB0];
	[tilespmem:v56+s17+$0x0] =	vst.idx.msk $0xffff, v55  }
0xe4: {  	s31 =	simm.s32 $0xE;
	v44 =	vmov s28;
	v47 =	vmov s29;
	v46 =	vld [tilespmem:s22+$0xFFFFFE30];
	v39 =	vshrl.u32 v63, $0x3;
	[tilespmem:v58+s17+$0x0] =	vst.idx.msk $0xffff, v57  }
0xe5: {  	s26 =	simm.s32 $0xA;
	s30 =	simm.s32 $0xD;
	v51 =	vadd.s32 v8, v45;
	v49 =	vld [tilespmem:s22+$0xFFFFFE80];
	v45 =	vshll.u32 v39, v1;
	v39 =	vmov s31;
	[tilespmem:v60+s17+$0x0] =	vst.idx.msk $0xffff, v59  }
0xe6: {  	s23 =	simm.s32 $0x10;
	v52 =	vadd.s32 v12, v52;
	s24 =	simm.s32 $0xF;
	v50 =	vld [tilespmem:s22+$0xFFFFFEC0];
	[tilespmem:v38+s17+$0x0] =	vst.idx.msk $0xffff, v54;
	v54 =	vmov s26;
	v38 =	vmov s30  }
.LBB2_11:
0xe7: {  	p0 =	slt.u32 s23, $0x78;
	v53 =	vshrl.u32 v53, $0x3;
	v55 =	vmov s24;
	v56 =	vld [tilespmem:s22+$0xFFFFFF00];
	v35 =	vadd.s32 v16, v35;
	[tilespmem:v41+s17+$0x0] =	vst.idx.msk $0xffff, v40  }
0xe8: {  	v40 =	vshrl.u32 v54, $0x3;
	v34 =	vadd.s32 v20, v34;
	v41 =	vshrl.u32 v55, $0x3;
	v54 =	vld [tilespmem:s22+$0xFFFFFF40];
	[tilespmem:v43+s17+$0x0] =	vst.idx.msk $0xffff, v42  }
0xe9: {  	v37 =	vadd.s32 v24, v37;
	v42 =	vshrl.u32 v44, $0x3;
	v41 =	vshll.u32 v41, v1;
	[tilespmem:v48+s17+$0x0] =	vst.idx.msk $0xffff, v46;
	v43 =	vld [tilespmem:s22+$0xFFFFFF80]  }
0xea: {  	v36 =	vadd.s32 v28, v36;
	v44 =	vshrl.u32 v47, $0x3;
	v41 =	vbroadcast v41, $0x0;
	[tilespmem:v51+s17+$0x0] =	vst.idx.msk $0xffff, v49;
	v46 =	vld [tilespmem:s22+$0xFFFFFFC0]  }
0xeb: {  	v47 =	vshll.u32 v53, v1;
	v49 =	vadd.s32 v4, v33;
	v33 =	vbroadcast v45, $0x0;
	v48 =	vld [tilespmem:s22+$0xFFFFFE40];
	[tilespmem:v52+s17+$0x0] =	vst.idx.msk $0xffff, v50;
	s22 =	sadd.s32 $0x200, s22  }
0xec: {  	v40 =	vshll.u32 v40, v1;
	v45 =	vbroadcast v47, $0x0;
	v47 =	vld [tilespmem:s22+$0xFFFFFFD0];
	v50 =	vadd.s32 v29, v41;
	[tilespmem:v35+s17+$0x0] =	vst.idx.msk $0xffff, v56  }
0xed: {  	v55 =	vbroadcast v40, $0x0;
	v52 =	vadd.s32 v0, v33;
	v35 =	vshll.u32 v42, v1;
	v51 =	vld [tilespmem:s22+$0xFFFFFE10];
	[tilespmem:v34+s17+$0x0] =	vst.idx.msk $0xffff, v54  }
0xee: {  	v42 =	vadd.s32 v5, v45;
	v35 =	vbroadcast v35, $0x0;
	v34 =	vshll.u32 v44, v1;
	v40 =	vld [tilespmem:s22+$0xFFFFFE50];
	[tilespmem:v37+s17+$0x0] =	vst.idx.msk $0xffff, v43  }
0xef: {  	v44 =	vadd.s32 v9, v55;
	v34 =	vbroadcast v34, $0x0;
	v37 =	vshrl.u32 v38, $0x3;
	v43 =	vld [tilespmem:s22+$0xFFFFFE90];
	[tilespmem:v36+s17+$0x0] =	vst.idx.msk $0xffff, v46  }
0xf0: {  	v39 =	vshrl.u32 v39, $0x3;
	v46 =	vadd.s32 v13, v35;
	v36 =	vshll.u32 v37, v1;
	v38 =	vld [tilespmem:s22+$0xFFFFFED0];
	[tilespmem:v49+s17+$0x0] =	vst.idx.msk $0xffff, v48  }
0xf1: {  	v49 =	vadd.s32 v17, v34;
	v37 =	vbroadcast v36, $0x0;
	v36 =	vshll.u32 v39, v1;
	v48 =	vld [tilespmem:s22+$0xFFFFFF10];
	[tilespmem:v50+s17+$0x0] =	vst.idx.msk $0xffff, v47  }
0xf2: {  	v36 =	vbroadcast v36, $0x0;
	v47 =	vadd.s32 v30, v41;
	[tilespmem:v52+s17+$0x0] =	vst.idx.msk $0xffff, v51;
	v39 =	vld [tilespmem:s22+$0xFFFFFFE0]  }
0xf3: {  	[tilespmem:v42+s17+$0x0] =	vst.idx.msk $0xffff, v40;
	v40 =	vld [tilespmem:s22+$0xFFFFFF50];
	v42 =	vadd.s32 v21, v37  }
0xf4: {  	[tilespmem:v44+s17+$0x0] =	vst.idx.msk $0xffff, v43;
	v43 =	vld [tilespmem:s22+$0xFFFFFF90];
	v44 =	vadd.s32 v25, v36  }
0xf5: {  	v51 =	vadd.s32 v6, v45;
	v50 =	vld [tilespmem:s22+$0xFFFFFE60];
	[tilespmem:v46+s17+$0x0] =	vst.idx.msk $0xffff, v38  }
0xf6: {  	v46 =	vadd.s32 v10, v55;
	v38 =	vld [tilespmem:s22+$0xFFFFFEA0];
	[tilespmem:v49+s17+$0x0] =	vst.idx.msk $0xffff, v48  }
0xf7: {  	v49 =	vadd.s32 v14, v35;
	v48 =	vld [tilespmem:s22+$0xFFFFFEE0];
	[tilespmem:v47+s17+$0x0] =	vst.idx.msk $0xffff, v39  }
0xf8: {  	[tilespmem:v42+s17+$0x0] =	vst.idx.msk $0xffff, v40;
	v39 =	vld [tilespmem:s22+$0xFFFFFFF0];
	v40 =	vadd.s32 v31, v41  }
0xf9: {  	v47 =	vadd.s32 v18, v34;
	v42 =	vld [tilespmem:s22+$0xFFFFFF20];
	[tilespmem:v44+s17+$0x0] =	vst.idx.msk $0xffff, v43  }
0xfa: {  	v44 =	vadd.s32 v22, v37;
	[tilespmem:v51+s17+$0x0] =	vst.idx.msk $0xffff, v50;
	v43 =	vld [tilespmem:s22+$0xFFFFFF60]  }
0xfb: {  	[tilespmem:v46+s17+$0x0] =	vst.idx.msk $0xffff, v38;
	v38 =	vld [tilespmem:s22+$0xFFFFFFA0];
	v46 =	vadd.s32 v26, v36  }
0xfc: {  	v51 =	vadd.s32 v2, v33;
	v50 =	vld [tilespmem:s22+$0xFFFFFE20];
	[tilespmem:v49+s17+$0x0] =	vst.idx.msk $0xffff, v48  }
0xfd: {  	v49 =	vadd.s32 v7, v45;
	v48 =	vld [tilespmem:s22+$0xFFFFFE70];
	[tilespmem:v40+s17+$0x0] =	vst.idx.msk $0xffff, v39  }
0xfe: {  	[tilespmem:v47+s17+$0x0] =	vst.idx.msk $0xffff, v42;
	v39 =	vld [tilespmem:s22+$0x0];
	v47 =	vadd.s32 v32, v41  }
0xff: {  	v56 =	vadd.s32 v11, v55;
	v52 =	vld [tilespmem:s22+$0xFFFFFEB0];
	[tilespmem:v44+s17+$0x0] =	vst.idx.msk $0xffff, v43  }
0x100: {  	v58 =	vadd.s32 v15, v35;
	v57 =	vld [tilespmem:s22+$0xFFFFFEF0];
	[tilespmem:v46+s17+$0x0] =	vst.idx.msk $0xffff, v38  }
0x101: {  	v60 =	vadd.s32 v19, v34;
	[tilespmem:v51+s17+$0x0] =	vst.idx.msk $0xffff, v50;
	v59 =	vld [tilespmem:s22+$0xFFFFFF30]  }
.Ltmp5:
0x102: {  	s24 =	sadd.s32 $0x1, s23;
	v41 =	vadd.s32 v23, v37;
	v38 =	vmov s23;
	[tilespmem:v49+s17+$0x0] =	vst.idx.msk $0xffff, v48;
	v40 =	vld [tilespmem:s22+$0xFFFFFF70];
	(pc) =	sbr.rel @p0 .LBB2_11-.Ltmp5, $4  }
0x103: {  	s25 =	sadd.s32 $0x3, s23;
	v53 =	vmov s24;
	s24 =	sadd.s32 $0x2, s23;
	v43 =	vadd.s32 v27, v36;
	v50 =	vshrl.u32 v38, $0x3;
	v42 =	vld [tilespmem:s22+$0xFFFFFFB0];
	[tilespmem:v47+s17+$0x0] =	vst.idx.msk $0xffff, v39  }
0x104: {  	v54 =	vmov s24;
	s24 =	sadd.s32 $0x4, s23;
	v44 =	vmov s25;
	s25 =	sadd.s32 $0x5, s23;
	v48 =	vadd.s32 v3, v33;
	v46 =	vld [tilespmem:s22+$0xFFFFFE30];
	[tilespmem:v56+s17+$0x0] =	vst.idx.msk $0xffff, v52  }
0x105: {  	v38 =	vmov s25;
	v51 =	vadd.s32 v8, v45;
	v47 =	vmov s24;
	s24 =	sadd.s32 $0x6, s23;
	v49 =	vld [tilespmem:s22+$0xFFFFFE80];
	[tilespmem:v58+s17+$0x0] =	vst.idx.msk $0xffff, v57  }
0x106: {  	v45 =	vshll.u32 v50, v1;
	v39 =	vmov s24;
	s24 =	sadd.s32 $0x7, s23;
	s23 =	sadd.s32 $0x8, s23;
	v52 =	vadd.s32 v12, v55;
	v50 =	vld [tilespmem:s22+$0xFFFFFEC0];
	[tilespmem:v60+s17+$0x0] =	vst.idx.msk $0xffff, v59  }
0x107: {  	_ =	sdelay $0x2  }
0x108: {  	v53 =	vshrl.u32 v53, $0x3  }
0x109: {  	v55 =	vmov s24;
	v56 =	vld [tilespmem:s22+$0xFFFFFF00];
	v35 =	vadd.s32 v16, v35;
	[tilespmem:v41+s17+$0x0] =	vst.idx.msk $0xffff, v40;
	v57 =	vshrl.u32 v54, $0x3  }
0x10a: {  	v59 =	vld [tilespmem:s22+$0xFFFFFF40];
	v34 =	vadd.s32 v20, v34;
	v60 =	vshrl.u32 v44, $0x3;
	v58 =	vshrl.u32 v55, $0x3;
	[tilespmem:v43+s17+$0x0] =	vst.idx.msk $0xffff, v42  }
0x10b: {  	v37 =	vadd.s32 v24, v37;
	v62 =	vshrl.u32 v47, $0x3;
	v61 =	vld [tilespmem:s22+$0xFFFFFF80];
	v41 =	vshll.u32 v58, v1;
	[tilespmem:v48+s17+$0x0] =	vst.idx.msk $0xffff, v46  }
0x10c: {  	v36 =	vadd.s32 v28, v36;
	v45 =	vbroadcast v45, $0x0;
	v63 =	vld [tilespmem:s22+$0xFFFFFFC0];
	v41 =	vbroadcast v41, $0x0;
	[tilespmem:v51+s17+$0x0] =	vst.idx.msk $0xffff, v49  }
0x10d: {  	v33 =	vadd.s32 v4, v33;
	s26 =	sadd.s32 $0x200, s22;
	v38 =	vshrl.u32 v38, $0x3;
	v55 =	vshll.u32 v53, v1;
	v48 =	vld [tilespmem:s22+$0xFFFFFE40];
	[tilespmem:v52+s17+$0x0] =	vst.idx.msk $0xffff, v50  }
0x10e: {  	v40 =	vshll.u32 v57, v1;
	v47 =	vbroadcast v55, $0x0;
	v49 =	vld [tilespmem:s26+$0xFFFFFFD0];
	v50 =	vadd.s32 v29, v41;
	[tilespmem:v35+s17+$0x0] =	vst.idx.msk $0xffff, v56  }
0x10f: {  	v42 =	vshll.u32 v60, v1;
	v40 =	vbroadcast v40, $0x0;
	v35 =	vld [tilespmem:s26+$0xFFFFFE10];
	v56 =	vadd.s32 v0, v45;
	[tilespmem:v34+s17+$0x0] =	vst.idx.msk $0xffff, v59  }
0x110: {  	v57 =	vld [tilespmem:s26+$0xFFFFFE50];
	v44 =	vshll.u32 v62, v1;
	v42 =	vbroadcast v42, $0x0;
	v58 =	vadd.s32 v5, v47;
	[tilespmem:v37+s17+$0x0] =	vst.idx.msk $0xffff, v61  }
0x111: {  	v38 =	vshll.u32 v38, v1;
	v44 =	vbroadcast v44, $0x0;
	v60 =	vadd.s32 v9, v40;
	v59 =	vld [tilespmem:s26+$0xFFFFFE90];
	[tilespmem:v36+s17+$0x0] =	vst.idx.msk $0xffff, v63  }
0x112: {  	v38 =	vbroadcast v38, $0x0;
	v62 =	vadd.s32 v13, v42;
	v61 =	vld [tilespmem:s26+$0xFFFFFED0];
	[tilespmem:v33+s17+$0x0] =	vst.idx.msk $0xffff, v48  }
0x113: {  	v39 =	vshrl.u32 v39, $0x3;
	v63 =	vadd.s32 v17, v44;
	v33 =	vld [tilespmem:s26+$0xFFFFFF10];
	[tilespmem:v50+s17+$0x0] =	vst.idx.msk $0xffff, v49  }
0x114: {  	v39 =	vshll.u32 v39, v1;
	v34 =	vld [tilespmem:s26+$0xFFFFFF50];
	[tilespmem:v56+s17+$0x0] =	vst.idx.msk $0xffff, v35;
	v56 =	vadd.s32 v21, v38  }
0x115: {  	[tilespmem:v58+s17+$0x0] =	vst.idx.msk $0xffff, v57;
	v35 =	vbroadcast v39, $0x0;
	v49 =	vadd.s32 v30, v41;
	v39 =	vld [tilespmem:s26+$0xFFFFFFE0]  }
0x116: {  	[tilespmem:v60+s17+$0x0] =	vst.idx.msk $0xffff, v59;
	v59 =	vld [tilespmem:s26+$0xFFFFFE60];
	v60 =	vadd.s32 v6, v47  }
0x117: {  	v57 =	vld [tilespmem:s26+$0xFFFFFF90];
	[tilespmem:v62+s17+$0x0] =	vst.idx.msk $0xffff, v61;
	v58 =	vadd.s32 v25, v35  }
0x118: {  	v61 =	vld [tilespmem:s26+$0xFFFFFEA0];
	v62 =	vadd.s32 v10, v40;
	[tilespmem:v63+s17+$0x0] =	vst.idx.msk $0xffff, v33  }
0x119: {  	v33 =	vld [tilespmem:s26+$0xFFFFFEE0];
	v63 =	vadd.s32 v14, v42;
	[tilespmem:v56+s17+$0x0] =	vst.idx.msk $0xffff, v34  }
0x11a: {  	v56 =	vadd.s32 v18, v44;
	[tilespmem:v49+s17+$0x0] =	vst.idx.msk $0xffff, v39;
	v49 =	vld [tilespmem:s26+$0xFFFFFF20]  }
0x11b: {  	[tilespmem:v60+s17+$0x0] =	vst.idx.msk $0xffff, v59;
	v39 =	vadd.s32 v31, v41;
	v34 =	vld [tilespmem:s26+$0xFFFFFFF0]  }
0x11c: {  	[tilespmem:v58+s17+$0x0] =	vst.idx.msk $0xffff, v57;
	v57 =	vld [tilespmem:s26+$0xFFFFFF60];
	v58 =	vadd.s32 v22, v38  }
0x11d: {  	[tilespmem:v62+s17+$0x0] =	vst.idx.msk $0xffff, v61;
	v61 =	vld [tilespmem:s26+$0xFFFFFE20];
	v62 =	vadd.s32 v2, v45  }
0x11e: {  	v60 =	vadd.s32 v26, v35;
	v59 =	vld [tilespmem:s26+$0xFFFFFFA0];
	[tilespmem:v63+s17+$0x0] =	vst.idx.msk $0xffff, v33  }
0x11f: {  	v55 =	vadd.s32 v11, v40;
	v54 =	vadd.s32 v32, v41;
	v41 =	vld [tilespmem:s26+$0xFFFFFEB0];
	[tilespmem:v56+s17+$0x0] =	vst.idx.msk $0xffff, v49  }
0x120: {  	v53 =	vadd.s32 v7, v47;
	v63 =	vld [tilespmem:s26+$0xFFFFFE70];
	[tilespmem:v39+s17+$0x0] =	vst.idx.msk $0xffff, v34  }
0x121: {  	v56 =	vld [tilespmem:s26+$0xFFFFFEF0];
	[tilespmem:v58+s17+$0x0] =	vst.idx.msk $0xffff, v57;
	v57 =	vadd.s32 v15, v42  }
0x122: {  	[tilespmem:v62+s17+$0x0] =	vst.idx.msk $0xffff, v61;
	v34 =	vld [tilespmem:s26+$0x0]  }
0x123: {  	v58 =	vld [tilespmem:s26+$0xFFFFFF30];
	[tilespmem:v60+s17+$0x0] =	vst.idx.msk $0xffff, v59;
	v59 =	vadd.s32 v19, v44  }
0x124: {  	v61 =	vadd.s32 v23, v38;
	[tilespmem:v55+s17+$0x0] =	vst.idx.msk $0xffff, v41;
	v60 =	vld [tilespmem:s26+$0xFFFFFF70]  }
0x125: {  	[tilespmem:v53+s17+$0x0] =	vst.idx.msk $0xffff, v63;
	v63 =	vadd.s32 v27, v35;
	v62 =	vld [tilespmem:s26+$0xFFFFFFB0]  }
0x126: {  	v47 =	vadd.s32 v8, v47;
	v55 =	vld [tilespmem:s26+$0xFFFFFE80];
	[tilespmem:v57+s17+$0x0] =	vst.idx.msk $0xffff, v56  }
0x127: {  	v53 =	vld [tilespmem:s26+$0xFFFFFE30];
	[tilespmem:v54+s17+$0x0] =	vst.idx.msk $0xffff, v34;
	v54 =	vadd.s32 v3, v45  }
0x128: {  	v40 =	vadd.s32 v12, v40;
	v56 =	vld [tilespmem:s26+$0xFFFFFEC0];
	[tilespmem:v59+s17+$0x0] =	vst.idx.msk $0xffff, v58  }
0x129: {  	v42 =	vadd.s32 v16, v42;
	v57 =	vld [tilespmem:s26+$0xFFFFFF00];
	[tilespmem:v61+s17+$0x0] =	vst.idx.msk $0xffff, v60  }
0x12a: {  	v59 =	vadd.s32 v20, v44;
	v58 =	vld [tilespmem:s26+$0xFFFFFF40];
	[tilespmem:v63+s17+$0x0] =	vst.idx.msk $0xffff, v62  }
0x12b: {  	v38 =	vadd.s32 v24, v38;
	v60 =	vld [tilespmem:s26+$0xFFFFFF80];
	[tilespmem:v47+s17+$0x0] =	vst.idx.msk $0xffff, v55  }
0x12c: {  	v35 =	vadd.s32 v28, v35;
	v61 =	vld [tilespmem:s26+$0xFFFFFFC0];
	[tilespmem:v54+s17+$0x0] =	vst.idx.msk $0xffff, v53  }
0x12d: {  	v63 =	vadd.s32 v4, v45;
	[tilespmem:v40+s17+$0x0] =	vst.idx.msk $0xffff, v56;
	v62 =	vld [tilespmem:s26+$0xFFFFFE40]  }
0x12e: {  	[tilespmem:v42+s17+$0x0] =	vst.idx.msk $0xffff, v57  }
0x12f: {  	s21 =	sshll.u32 s21, $0x12;
	[tilespmem:v59+s17+$0x0] =	vst.idx.msk $0xffff, v58  }
0x130: {  	s21 =	sor.u32 s6, s21;
	[tilespmem:v38+s17+$0x0] =	vst.idx.msk $0xffff, v60  }
0x131: {  	s21 =	sshrl.u32 s21, $0x3;
	[tilespmem:v35+s17+$0x0] =	vst.idx.msk $0xffff, v61  }
0x132: {  	s28 =	simm.s32 $0xC600;
	s22 =	sadd.s32 s4, s21;
	[tilespmem:v63+s17+$0x0] =	vst.idx.msk $0xffff, v62  }
0x133: {  	[hbm4b:s22+s3] =	stream.linear.scatter [tilespmem:s28], [sflag:$0x4], $0x80, $0x38;
	[tilespmem:$0xE800] =	vst v63  }
0x134: {  	s29 =	simm.s32 $0xC688;
	s23 =	sadd.s32 $0x10, s22  }
0x135: {  	[hbm4b:s23+s3] =	stream.linear.scatter [tilespmem:s29], [sflag:$0x4], $0x80, $0x38;
	[tilespmem:$0xE800] =	vst v63  }
0x136: {  	s30 =	simm.s32 $0xC710;
	s25 =	simm.s32 $0xC820;
	s31 =	sadd.s32 $0x20, s22  }
0x137: {  	[hbm4b:s31+s3] =	stream.linear.scatter [tilespmem:s30], [sflag:$0x4], $0x80, $0x38;
	[tilespmem:$0xE800] =	vst v63  }
0x138: {  	s21 =	simm.s32 $0x440;
	s24 =	sadd.s32 $0x30, s22;
	s23 =	simm.s32 $0xC798  }
0x139: {  	[hbm4b:s24+s3] =	stream.linear.scatter [tilespmem:s23], [sflag:$0x4], $0x80, $0x38;
	[tilespmem:$0xE800] =	vst v63  }
0x13a: {  	s26 =	sadd.s32 $0x40, s22;
	s28 =	simm.s32 $0xC8A8;
	s29 =	sadd.s32 $0x50, s22  }
0x13b: {  	[hbm4b:s26+s3] =	stream.linear.scatter [tilespmem:s25], [sflag:$0x4], $0x80, $0x38;
	[tilespmem:$0xE800] =	vst v63  }
0x13c: {  	s30 =	simm.s32 $0xC930;
	s31 =	sadd.s32 $0x60, s22;
	s23 =	simm.s32 $0x2200  }
0x13d: {  	[hbm4b:s29+s3] =	stream.linear.scatter [tilespmem:s28], [sflag:$0x4], $0x80, $0x38;
	[tilespmem:$0xE800] =	vst v63  }
0x13e: {  	s24 =	simm.s32 $0xC9B8;
	s25 =	sadd.s32 $0x70, s22;
	s22 =	sadd.s32 $0x1000, s22  }
0x13f: {  	[hbm4b:s31+s3] =	stream.linear.scatter [tilespmem:s30], [sflag:$0x4], $0x80, $0x38;
	[tilespmem:$0xE800] =	vst v63  }
.LBB2_13:
0x140: {  	[hbm4b:s25+s3] =	stream.linear.scatter [tilespmem:s24], [sflag:$0x4], $0x80, $0x38;
	[tilespmem:$0xE800] =	vst v63  }
0x141: {  	s24 =	smov.u32 s21;
	s21 =	smov.u32 s23  }
0x142: {  	s26 =	sadd.s32 $0x1100, s23;
	s21 =	sshra.s32 s21, $0x2;
	s25 =	sadd.s32 $0xC600, s24  }
0x143: {  	[hbm4b:s22+s3] =	stream.linear.scatter [tilespmem:s25], [sflag:$0x4], $0x80, $0x38;
	[tilespmem:$0xE800] =	vst v63  }
0x144: {  	p0 =	sne.s32 s23, $0x7700;
	s23 =	sadd.s32 $0xC688, s24;
	s25 =	sadd.s32 $0x10, s22  }
0x145: {  	[hbm4b:s25+s3] =	stream.linear.scatter [tilespmem:s23], [sflag:$0x4], $0x80, $0x38;
	[tilespmem:$0xE800] =	vst v63  }
0x146: {  	s23 =	sadd.s32 $0xC710, s24;
	s25 =	sadd.s32 $0x20, s22  }
0x147: {  	[hbm4b:s25+s3] =	stream.linear.scatter [tilespmem:s23], [sflag:$0x4], $0x80, $0x38;
	[tilespmem:$0xE800] =	vst v63  }
0x148: {  	s23 =	sadd.s32 $0xC798, s24;
	s25 =	sadd.s32 $0x30, s22  }
0x149: {  	[hbm4b:s25+s3] =	stream.linear.scatter [tilespmem:s23], [sflag:$0x4], $0x80, $0x38;
	[tilespmem:$0xE800] =	vst v63  }
0x14a: {  	s23 =	sadd.s32 $0xC820, s24;
	s25 =	sadd.s32 $0x40, s22  }
0x14b: {  	[hbm4b:s25+s3] =	stream.linear.scatter [tilespmem:s23], [sflag:$0x4], $0x80, $0x38;
	[tilespmem:$0xE800] =	vst v63  }
.Ltmp6:
0x14c: {  	s23 =	sadd.s32 $0xC8A8, s24;
	s25 =	sadd.s32 $0x50, s22;
	(pc) =	sbr.rel @p0 .LBB2_13-.Ltmp6, $4  }
0x14d: {  	[hbm4b:s25+s3] =	stream.linear.scatter [tilespmem:s23], [sflag:$0x4], $0x80, $0x38;
	[tilespmem:$0xE800] =	vst v63  }
0x14e: {  	s23 =	sadd.s32 $0xC930, s24;
	s25 =	sadd.s32 $0x60, s22;
	s24 =	sadd.s32 $0xC9B8, s24  }
0x14f: {  	[hbm4b:s25+s3] =	stream.linear.scatter [tilespmem:s23], [sflag:$0x4], $0x80, $0x38;
	[tilespmem:$0xE800] =	vst v63  }
0x150: {  	s25 =	sadd.s32 $0x70, s22;
	s22 =	sadd.s32 $0x1000, s22;
	s23 =	smov.u32 s26  }
0x151: {  	[hbm4b:s25+s3] =	stream.linear.scatter [tilespmem:s24], [sflag:$0x4], $0x80, $0x38;
	[tilespmem:$0xE800] =	vst v63  }
0x152: {  	s23 =	sadd.s32 $0xC600, s21  }
0x153: {  	[hbm4b:s22+s3] =	stream.linear.scatter [tilespmem:s23], [sflag:$0x4], $0x80, $0x38;
	[tilespmem:$0xE800] =	vst v63  }
0x154: {  	s30 =	sadd.s32 $0xC688, s21;
	s31 =	sadd.s32 $0x10, s22  }
0x155: {  	[hbm4b:s31+s3] =	stream.linear.scatter [tilespmem:s30], [sflag:$0x4], $0x80, $0x38;
	[tilespmem:$0xE800] =	vst v63  }
0x156: {  	s25 =	sadd.s32 $0xC710, s21;
	s26 =	sadd.s32 $0x20, s22  }
0x157: {  	[hbm4b:s26+s3] =	stream.linear.scatter [tilespmem:s25], [sflag:$0x4], $0x80, $0x38;
	[tilespmem:$0xE800] =	vst v63  }
0x158: {  	s28 =	sadd.s32 $0xC798, s21;
	s29 =	sadd.s32 $0x30, s22  }
0x159: {  	[hbm4b:s29+s3] =	stream.linear.scatter [tilespmem:s28], [sflag:$0x4], $0x80, $0x38;
	[tilespmem:$0xE800] =	vst v63  }
0x15a: {  	s20 =	sadd.s32 $0x1, s20;
	s30 =	sadd.s32 $0xC820, s21;
	s31 =	sadd.s32 $0x40, s22  }
0x15b: {  	[hbm4b:s31+s3] =	stream.linear.scatter [tilespmem:s30], [sflag:$0x4], $0x80, $0x38;
	[tilespmem:$0xE800] =	vst v63  }
0x15c: {  	p0 =	sne.s32 s20, $0x64;
	s25 =	sadd.s32 $0xC8A8, s21;
	s26 =	sadd.s32 $0x50, s22  }
0x15d: {  	[hbm4b:s26+s3] =	stream.linear.scatter [tilespmem:s25], [sflag:$0x4], $0x80, $0x38;
	[tilespmem:$0xE800] =	vst v63  }
.Ltmp7:
0x15e: {  	_ = 	snop;
	(pc) =	sbr.rel @p0 .LBB2_2-.Ltmp7, $4  }
0x15f: {  	s28 =	sadd.s32 $0xC930, s21;
	s29 =	sadd.s32 $0x60, s22  }
0x160: {  	[hbm4b:s29+s3] =	stream.linear.scatter [tilespmem:s28], [sflag:$0x4], $0x80, $0x38;
	[tilespmem:$0xE800] =	vst v63  }
0x161: {  	s30 =	sadd.s32 $0xC9B8, s21;
	s31 =	sadd.s32 $0x70, s22  }
0x162: {  	[hbm4b:s31+s3] =	stream.linear.scatter [tilespmem:s30], [sflag:$0x4], $0x80, $0x38;
	[tilespmem:$0xE800] =	vst v63  }
0x163: {  	s19 =	sadd.s32 $0x1, s19  }
0x164: {  	_ =	swait.ge [sflag:s18], $0x2000;
	p0 =	sne.s32 s19, s7  }
.Ltmp8:
0x165: {  	[sflag:s18] =	ssyncset.done $0x0;
	(pc) =	sbr.rel @p0 .LBB2_1-.Ltmp8, $4  }
0x166: {  	[sflag:s18] =	ssyncadd.s32 $0xFFFFE000  }
0x167: {  	_ =	swait.ge [sflag:s16], $0x2000  }
0x168: {  	[sflag:s16] =	ssyncset.done $0x0  }
0x169: {  	[sflag:s16] =	ssyncadd.s32 $0xFFFFE000  }
0x16a: {  	_ =	sfence.sel $0x180000  }
0x16b: {  	[bflag:$0x0] =	sbarrier.arrive $0xFFFF  }
0x16c: {  	p0 =	sne.s32 s2, $0x0;
	_ =	strace $0x90000047  }
0x16d: {  	s0 =	sadd.s32 @!p0 $0x100000, s0;
	[bflag:$0x2] =	sbarrier.arrive $0xFFFF  }
0x16e: {  	[sflag:s0] =	ssyncadd.tile.s32 @!p0 $0x1;
	_ =	shalt  }
.Lfunc_end2:
_tile_overlayer_lowered:
.L_overlay_start_2:
0x16f: {  	(tag) =	ssettag $0x2  }
0x170: {  	s0 =	rddreg [dreg:$0x0];
	s2 =	stileid.u32  }
0x171: {  	s1 =	rddreg [dreg:$0x1];
	p0 =	sne.s32 s2, $0x0  }
0x172: {  	s3 =	rddreg [dreg:$0x2];
	[bflag:$0x3] =	sbarrier.arrive $0xFFFF;
	s2 =	simm.s32 @!p0 $0x1C05  }
0x173: {  	[timem:s3], [sflag:s2] =	dma.local @!p0 [hbm:s0], s1  }
0x174: {  	s0 =	simm.s32 @!p0 $0x5  }
0x175: {  	_ =	swait.ge @!p0 [sflag:s0], s1  }
0x176: {  	s1 =	ssub.s32 @!p0 $0x0, s1;
	[sflag:s0] =	ssyncset.done @!p0 $0x0  }
0x177: {  	[sflag:s0] =	ssyncadd.s32 @!p0 s1  }
0x178: {  	[bflag:$0x3] =	sbarrier.arrive $0xFFFF  }
0x179: {  	_ =	shalt  }

</sc_bundles>
